<compile_context>
chip_gen: v7x
topology: tpu7x:2x2x1
jax: 0.10.2.dev20260603
libtpu: 0.0.44.dev20260713+nightly
codegen_flags: <defaults>
</compile_context>

<pallas_src>
import functools

import jax
import jax.numpy as jnp
from jax import lax
from jax.experimental import pallas as pl
from jax.experimental.pallas import tpu as pltpu
from jax.experimental.pallas import tpu_sc as plsc

BLK = 8
OFF_PAD = 80


def _moe_body(blk_off_ref, tok_ref, gate_ref, x_ref, wup_ref, wdn_ref,
              out_ref, *, tokens, hidden, epg):
    eg = pl.program_id(0)

    @pl.when(eg == 0)
    def _init():
        out_ref[...] = jnp.zeros_like(out_ref)

    def body(b, carry):
        i = carry
        idx = tok_ref[pl.ds(b, 1), :]
        gts = gate_ref[pl.ds(b, 1), :]
        iota = lax.broadcasted_iota(jnp.int32, (tokens, BLK), 0)
        sel = (iota == idx).astype(jnp.float32)
        sel_t = sel.T
        xe = jnp.dot(sel_t, x_ref[...],
                     preferred_element_type=jnp.float32)
        up = jnp.dot(xe, wup_ref[i],
                     preferred_element_type=jnp.float32)
        h = up[:, :hidden]
        g = up[:, hidden:]
        act = (0.5 * h * (1.0 + lax.erf(h * 0.7071067811865476))) * (g + 1.0)
        y = jnp.dot(act, wdn_ref[i],
                    preferred_element_type=jnp.float32)
        scat = sel * gts
        out_ref[...] += jnp.dot(scat, y,
                                preferred_element_type=jnp.float32)
        return carry

    for i in range(epg):
        e = eg * epg + i
        b0 = jnp.where(e == 0, 0, blk_off_ref[jnp.maximum(e - 1, 0)])
        b1 = blk_off_ref[e]
        lax.fori_loop(b0, b1, body, i)


def _sorted_run_info(e_vec):
    iota = lax.broadcasted_iota(jnp.int32, (16,), 0)
    sk, si = plsc.sort_key_val(e_vec, iota)
    prev = sk[jnp.maximum(iota - 1, 0)]
    nxt = sk[jnp.minimum(iota + 1, 15)]
    is_first = (iota == 0) | (prev != sk)
    is_last = (iota == 15) | (nxt != sk)
    run_start = plsc.cummax(jnp.where(is_first, iota, 0))
    rank = iota - run_start
    return sk, si, rank, is_last


def _route_sc_body(eidx_hbm, p_hbm, tok_hbm, gate_hbm, off_hbm,
                   e_v, p_v, cnt_v, cur_v, tok_v, gate_v, off_v, dma_sem,
                   *, n_slots, slot_shift, num_experts, n_pad):
    is_tile0 = ((lax.axis_index("c") == 0) & (lax.axis_index("s") == 0))
    n_vregs = n_slots // 16

    @pl.when(is_tile0)
    def _only_tile0():
        in1 = pltpu.make_async_copy(eidx_hbm, e_v, dma_sem)
        in2 = pltpu.make_async_copy(p_hbm, p_v, dma_sem)
        in1.start()
        in2.start()
        iota = lax.broadcasted_iota(jnp.int32, (16,), 0)
        zeros_i = jnp.zeros((16,), jnp.int32)

        def zbody(i, c):
            gate_v[pl.ds(i * 16, 16)] = jnp.zeros((16,), jnp.float32)
            return c
        lax.fori_loop(0, n_pad // 16, zbody, 0)
        for q in range(num_experts // 16):
            cnt_v[pl.ds(q * 16, 16)] = zeros_i
        in1.wait()
        in2.wait()

        def count_body(v, c):
            e_vec = e_v[pl.ds(v * 16, 16)]
            sk, _, rank, is_last = _sorted_run_info(e_vec)
            plsc.addupdate_scatter(cnt_v, [sk], rank + 1, mask=is_last)
            return c
        lax.fori_loop(0, n_vregs, count_body, 0)

        carry = jnp.zeros((), jnp.int32)
        for q in range(num_experts // 16):
            cq = cnt_v[pl.ds(q * 16, 16)]
            nb = (cq + (BLK - 1)) >> 3
            cs = plsc.cumsum(nb) + carry
            off_v[pl.ds(q * 16, 16)] = cs
            cur_v[pl.ds(q * 16, 16)] = (cs - nb) * BLK
            carry = carry + jnp.sum(nb)
        for q in range(num_experts // 16, OFF_PAD // 16):
            off_v[pl.ds(q * 16, 16)] = jnp.broadcast_to(carry, (16,))

        def place_body(v, c):
            e_vec = e_v[pl.ds(v * 16, 16)]
            p_vec = p_v[pl.ds(v * 16, 16)]
            t_vec = (iota + v * 16) >> slot_shift
            sk, si, rank, is_last = _sorted_run_info(e_vec)
            cur16 = plsc.load_gather(cur_v, [sk])
            pos = cur16 + rank
            plsc.store_scatter(tok_v, [pos], t_vec[si])
            plsc.store_scatter(gate_v, [pos], p_vec[si])
            plsc.addupdate_scatter(cur_v, [sk], rank + 1, mask=is_last)
            return c
        lax.fori_loop(0, n_vregs, place_body, 0)

        o1 = pltpu.make_async_copy(tok_v, tok_hbm, dma_sem)
        o2 = pltpu.make_async_copy(gate_v, gate_hbm, dma_sem)
        o3 = pltpu.make_async_copy(off_v, off_hbm, dma_sem)
        o1.start()
        o2.start()
        o3.start()
        o1.wait()
        o2.wait()
        o3.wait()


def _route_sc(expert_idxs, expert_p, num_experts, nb_cap):
    tokens, k = expert_idxs.shape
    n_slots = tokens * k
    n_pad = nb_cap * BLK
    slot_shift = k.bit_length() - 1
    assert k == (1 << slot_shift), "top_k must be a power of two"
    body = functools.partial(_route_sc_body, n_slots=n_slots,
                             slot_shift=slot_shift,
                             num_experts=num_experts, n_pad=n_pad)
    tok, gate, off = pl.kernel(
        body,
        out_type=[
            jax.ShapeDtypeStruct((n_pad,), jnp.int32),
            jax.ShapeDtypeStruct((n_pad,), jnp.float32),
            jax.ShapeDtypeStruct((OFF_PAD,), jnp.int32),
        ],
        mesh=plsc.VectorSubcoreMesh(core_axis_name="c", subcore_axis_name="s"),
        scratch_types=[
            pltpu.VMEM((n_slots,), jnp.int32),
            pltpu.VMEM((n_slots,), jnp.float32),
            pltpu.VMEM((num_experts,), jnp.int32),
            pltpu.VMEM((num_experts,), jnp.int32),
            pltpu.VMEM((n_pad,), jnp.int32),
            pltpu.VMEM((n_pad,), jnp.float32),
            pltpu.VMEM((OFF_PAD,), jnp.int32),
            pltpu.SemaphoreType.DMA,
        ],
        name="moe_route_sc",
        compiler_params=pltpu.CompilerParams(needs_layout_passes=False),
    )(expert_idxs.reshape(-1).astype(jnp.int32),
      expert_p.reshape(-1).astype(jnp.float32))
    return (tok.reshape(nb_cap, BLK), gate.reshape(nb_cap, BLK), off)


def kernel(x, expert_p, expert_idxs, W_up, W_down):
    T, D = x.shape
    E = W_up.shape[0]
    H = W_down.shape[1]
    n_slots = expert_idxs.size
    nb_cap = -(-(n_slots + (BLK - 1) * E) // BLK)
    nb_cap = -(-nb_cap // 16) * 16

    tok, gate, blk_off = _route_sc(expert_idxs, expert_p, E, nb_cap)

    EPG = 2
    body = functools.partial(_moe_body, tokens=T, hidden=H, epg=EPG)
    out = pl.pallas_call(
        body,
        grid=(E // EPG,),
        in_specs=[
            pl.BlockSpec(memory_space=pltpu.SMEM),
            pl.BlockSpec((nb_cap, BLK), lambda e: (0, 0)),
            pl.BlockSpec((nb_cap, BLK), lambda e: (0, 0)),
            pl.BlockSpec((T, D), lambda e: (0, 0)),
            pl.BlockSpec((EPG, D, 2 * H), lambda e: (e, 0, 0)),
            pl.BlockSpec((EPG, H, D), lambda e: (e, 0, 0)),
        ],
        out_specs=pl.BlockSpec((T, D), lambda e: (0, 0)),
        out_shape=jax.ShapeDtypeStruct((T, D), jnp.float32),
        compiler_params=pltpu.CompilerParams(
            dimension_semantics=("arbitrary",)),
    )(blk_off, tok, gate, x, W_up, W_down)
    return out

# --- scband reference (transcript-rebuilt; emitter-appended) ---
"""Pipeline reference for scband-mlp-73074573574220 (READ-ONLY COPY).

The authoritative reference and input builder live on the scoring server;
editing this copy changes nothing except your own understanding.
"""

import jax, jax.numpy as jnp
import numpy as np

T = 128
D = 768   # input_size
H = 768   # hidden_size (up projection emits 2*H for gated GELU)
E = 64    # num_experts
K = 2     # top_k


def setup_inputs(seed: int = 0) -> dict:
    key = jax.random.key(seed)
    k1, k2, k3, k4, k5 = jax.random.split(key, 5)
    x = jax.random.normal(k1, (T, D), dtype=jnp.float32)
    expert_p = jax.random.uniform(k2, (T, K), dtype=jnp.float32)
    expert_idxs = jax.random.randint(k3, (T, K), 0, E)
    # learned parameters (ParallelExperts weight banks, no bias)
    W_up = jax.random.normal(k4, (E, D, 2 * H), dtype=jnp.float32) * 0.02
    W_down = jax.random.normal(k5, (E, H, D), dtype=jnp.float32) * 0.02
    return {"x": x, "expert_p": expert_p, "expert_idxs": expert_idxs, "W_up": W_up, "W_down": W_down}


def reference(x, expert_p, expert_idxs, W_up, W_down):
    # Scatter-MoE forward: sort token-slots by expert (emulated by a per-expert
    # gather), grouped up-projection, gated GELU (gelu(h) * (g + 1)),
    # down-projection, and gate-weighted scatter-add back to token order.
    num_experts = W_up.shape[0]
    num_slots = expert_idxs.shape[1]
    y0 = jnp.zeros((x.shape[0], W_down.shape[-1]), dtype=x.dtype)

    def body(e, y):
        up = x @ W_up[e]                                   # [T, 2H]
        h, g = jnp.split(up, 2, axis=-1)
        h = jax.nn.gelu(h, approximate=False) * (g + 1.0)  # nn.GELU() exact erf variant
        ye = h @ W_down[e]                                 # [T, D]
        for s in range(num_slots):
            gates = jnp.where(expert_idxs[:, s] == e, expert_p[:, s],
                              jnp.zeros((), dtype=expert_p.dtype))
            y = y + ye * gates[:, None]                    # gate-weighted add in slot order
        return y

    return jax.lax.fori_loop(0, num_experts, body, y0)

if __name__ == "__main__":
    import jax
    _d = setup_inputs()
    print(jax.jit(kernel)(*tuple(_d.values())))

</pallas_src>

<mosaic_0001>
#map = affine_map<(d0, d1) -> (0)>
module attributes {stable_mosaic.version = 14 : i64} {
  func.func @moe_route_sc(%arg0: i32, %arg1: i32, %arg2: memref<256xi32, #tpu.memory_space<hbm>>, %arg3: memref<256xf32, #tpu.memory_space<hbm>>, %arg4: memref<768xi32, #tpu.memory_space<hbm>>, %arg5: memref<768xf32, #tpu.memory_space<hbm>>, %arg6: memref<80xi32, #tpu.memory_space<hbm>>, %arg7: memref<256xi32, #tpu.memory_space<vmem>>, %arg8: memref<256xf32, #tpu.memory_space<vmem>>, %arg9: memref<64xi32, #tpu.memory_space<vmem>>, %arg10: memref<64xi32, #tpu.memory_space<vmem>>, %arg11: memref<768xi32, #tpu.memory_space<vmem>>, %arg12: memref<768xf32, #tpu.memory_space<vmem>>, %arg13: memref<80xi32, #tpu.memory_space<vmem>>, %arg14: memref<!tpu.dma_semaphore, #tpu.memory_space<semaphore_mem>>) attributes {dimension_semantics = [#tpu.dimension_semantics<core_parallel>, #tpu.dimension_semantics<subcore_parallel>], iteration_bounds = array<i64: 2, 16>, scalar_prefetch = 0 : i64, scratch_operands = 8 : i64, tpu.core_type = #tpu.core_type<sc_vector_subcore>, window_params = [{transform_indices = #map}, {transform_indices = #map}, {transform_indices = #map}, {transform_indices = #map}, {transform_indices = #map}]} {
    %eq3A = arith.constant 0 : i32
    %eq3A_0 = arith.cmpi eq, %arg0, %eq3A : i32
    %eq3A_1 = arith.constant 0 : i32
    %eq3A_2 = arith.cmpi eq, %arg1, %eq3A_1 : i32
    %and3A = arith.andi %eq3A_0, %eq3A_2 : i1
    %convert_element_type3A = arith.extui %and3A : i1 to i32
    %cond3A = arith.constant 0 : i32
    %cond3A_3 = arith.cmpi ne, %convert_element_type3A, %cond3A : i32
    scf.if %cond3A_3 {
      tpu.enqueue_dma source(%arg2 : memref<256xi32, #tpu.memory_space<hbm>>) target(%arg7 : memref<256xi32, #tpu.memory_space<vmem>>) target_semaphore(%arg14 : memref<!tpu.dma_semaphore, #tpu.memory_space<semaphore_mem>>)
      tpu.enqueue_dma source(%arg3 : memref<256xf32, #tpu.memory_space<hbm>>) target(%arg8 : memref<256xf32, #tpu.memory_space<vmem>>) target_semaphore(%arg14 : memref<!tpu.dma_semaphore, #tpu.memory_space<semaphore_mem>>)
      %iota3A = tpu.iota {dimensions = array<i32: 0>} : vector<16xi32>
      %broadcast_in_dim3A = arith.constant 0 : i32
      %broadcast_in_dim3A_4 = vector.broadcast %broadcast_in_dim3A : i32 to vector<16xi32>
      %scan3A = arith.constant 0 : i32
      %scan3A_5 = arith.constant 0 : i32
      %scan3A_6 = arith.constant 48 : i32
      %scan3A_7 = arith.addi %scan3A_5, %scan3A_6 : i32
      %scan3A_8 = arith.constant 1 : i32
      scf.for %scan3A_131 = %scan3A_5 to %scan3A_7 step %scan3A_8  : i32 {
        %broadcast_in_dim3A_132 = arith.constant 0.000000e+00 : f32
        %broadcast_in_dim3A_133 = vector.broadcast %broadcast_in_dim3A_132 : f32 to vector<16xf32>
        %mul3A_134 = arith.constant 16 : i32
        %mul3A_135 = arith.muli %scan3A_131, %mul3A_134 : i32
        %swap3A_136 = arith.index_cast %mul3A_135 : i32 to index
        %swap3A_137 = tpu.vector_load %arg12[%swap3A_136] {strides = array<i32>} : memref<768xf32, #tpu.memory_space<vmem>>, vector<16xf32>,
        tpu.vector_store %arg12[%swap3A_136], %broadcast_in_dim3A_133 {strides = array<i32>} : memref<768xf32, #tpu.memory_space<vmem>>, vector<16xf32>,
      }
      %scan3A_9 = arith.constant 48 : i32
      %swap3A = arith.constant 0 : index
      %swap3A_10 = tpu.vector_load %arg9[%swap3A] {strides = array<i32>} : memref<64xi32, #tpu.memory_space<vmem>>, vector<16xi32>,
      tpu.vector_store %arg9[%swap3A], %broadcast_in_dim3A_4 {strides = array<i32>} : memref<64xi32, #tpu.memory_space<vmem>>, vector<16xi32>,
      %swap3A_11 = arith.constant 16 : index
      %swap3A_12 = tpu.vector_load %arg9[%swap3A_11] {strides = array<i32>} : memref<64xi32, #tpu.memory_space<vmem>>, vector<16xi32>,
      tpu.vector_store %arg9[%swap3A_11], %broadcast_in_dim3A_4 {strides = array<i32>} : memref<64xi32, #tpu.memory_space<vmem>>, vector<16xi32>,
      %swap3A_13 = arith.constant 32 : index
      %swap3A_14 = tpu.vector_load %arg9[%swap3A_13] {strides = array<i32>} : memref<64xi32, #tpu.memory_space<vmem>>, vector<16xi32>,
      tpu.vector_store %arg9[%swap3A_13], %broadcast_in_dim3A_4 {strides = array<i32>} : memref<64xi32, #tpu.memory_space<vmem>>, vector<16xi32>,
      %swap3A_15 = arith.constant 48 : index
      %swap3A_16 = tpu.vector_load %arg9[%swap3A_15] {strides = array<i32>} : memref<64xi32, #tpu.memory_space<vmem>>, vector<16xi32>,
      tpu.vector_store %arg9[%swap3A_15], %broadcast_in_dim3A_4 {strides = array<i32>} : memref<64xi32, #tpu.memory_space<vmem>>, vector<16xi32>,
      tpu.wait_dma2 semaphore(%arg14 : memref<!tpu.dma_semaphore, #tpu.memory_space<semaphore_mem>>) src(%arg2 : memref<256xi32, #tpu.memory_space<hbm>>) dst(%arg7 : memref<256xi32, #tpu.memory_space<vmem>>)
      tpu.wait_dma2 semaphore(%arg14 : memref<!tpu.dma_semaphore, #tpu.memory_space<semaphore_mem>>) src(%arg3 : memref<256xf32, #tpu.memory_space<hbm>>) dst(%arg8 : memref<256xf32, #tpu.memory_space<vmem>>)
      %scan3A_17 = arith.constant 0 : i32
      %scan3A_18 = arith.constant 0 : i32
      %scan3A_19 = arith.constant 16 : i32
      %scan3A_20 = arith.addi %scan3A_18, %scan3A_19 : i32
      %scan3A_21 = arith.constant 1 : i32
      scf.for %scan3A_131 = %scan3A_18 to %scan3A_20 step %scan3A_21  : i32 {
        %mul3A_132 = arith.constant 16 : i32
        %mul3A_133 = arith.muli %scan3A_131, %mul3A_132 : i32
        %get3A_134 = arith.index_cast %mul3A_133 : i32 to index
        %get3A_135 = tpu.vector_load %arg7[%get3A_134] {strides = array<i32>} : memref<256xi32, #tpu.memory_space<vmem>>, vector<16xi32>,
        %iota3A_136 = tpu.iota {dimensions = array<i32: 0>} : vector<16xi32>
        %masked_sort3A = arith.constant dense<true> : vector<16xi1>
        %masked_sort3A_137 = arith.constant -2147483648 : i32
        %masked_sort3A_138 = vector.broadcast %masked_sort3A_137 : i32 to vector<16xi32>
        %masked_sort3A_139 = arith.xori %get3A_135, %masked_sort3A_138 : vector<16xi32>
        %masked_sort3A_140, %masked_sort3A_141, %masked_sort3A_142 = tpu.sort %masked_sort3A_139, %iota3A_136 masked %masked_sort3A : (vector<16xi32>, vector<16xi32>, vector<16xi1>) -> (vector<16xi1>, vector<16xi32>, vector<16xi32>)
        %masked_sort3A_143 = arith.xori %masked_sort3A_141, %masked_sort3A_138 : vector<16xi32>
        %sub3A_144 = arith.constant 1 : i32
        %sub3A_145 = vector.broadcast %sub3A_144 : i32 to vector<16xi32>
        %sub3A_146 = arith.subi %iota3A_136, %sub3A_145 : vector<16xi32>
        %max3A = arith.constant 0 : i32
        %max3A_147 = vector.broadcast %max3A : i32 to vector<16xi32>
        %max3A_148 = arith.maxsi %sub3A_146, %max3A_147 : vector<16xi32>
        %lt3A = arith.constant 0 : i32
        %lt3A_149 = vector.broadcast %lt3A : i32 to vector<16xi32>
        %lt3A_150 = arith.cmpi slt, %max3A_148, %lt3A_149 : vector<16xi32>
        %add3A_151 = arith.constant 16 : i32
        %add3A_152 = vector.broadcast %add3A_151 : i32 to vector<16xi32>
        %add3A_153 = arith.addi %max3A_148, %add3A_152 : vector<16xi32>
        %select_n3A = arith.select %lt3A_150, %add3A_153, %max3A_148 : vector<16xi1>, vector<16xi32>
        %broadcast_in_dim3A_154 = vector.shape_cast %select_n3A : vector<16xi32> to vector<16x1xi32>
        %gather3A = vector.shape_cast %broadcast_in_dim3A_154 : vector<16x1xi32> to vector<16xi32>
        %gather3A_155 = tpu.dynamic_gather %masked_sort3A_143[%gather3A] in [0] : vector<16xi32>, vector<16xi32> -> vector<16xi32>
        %add3A_156 = arith.constant 1 : i32
        %add3A_157 = vector.broadcast %add3A_156 : i32 to vector<16xi32>
        %add3A_158 = arith.addi %iota3A_136, %add3A_157 : vector<16xi32>
        %min3A = arith.constant 15 : i32
        %min3A_159 = vector.broadcast %min3A : i32 to vector<16xi32>
        %min3A_160 = arith.minsi %add3A_158, %min3A_159 : vector<16xi32>
        %lt3A_161 = arith.constant 0 : i32
        %lt3A_162 = vector.broadcast %lt3A_161 : i32 to vector<16xi32>
        %lt3A_163 = arith.cmpi slt, %min3A_160, %lt3A_162 : vector<16xi32>
        %add3A_164 = arith.constant 16 : i32
        %add3A_165 = vector.broadcast %add3A_164 : i32 to vector<16xi32>
        %add3A_166 = arith.addi %min3A_160, %add3A_165 : vector<16xi32>
        %select_n3A_167 = arith.select %lt3A_163, %add3A_166, %min3A_160 : vector<16xi1>, vector<16xi32>
        %broadcast_in_dim3A_168 = vector.shape_cast %select_n3A_167 : vector<16xi32> to vector<16x1xi32>
        %gather3A_169 = vector.shape_cast %broadcast_in_dim3A_168 : vector<16x1xi32> to vector<16xi32>
        %gather3A_170 = tpu.dynamic_gather %masked_sort3A_143[%gather3A_169] in [0] : vector<16xi32>, vector<16xi32> -> vector<16xi32>
        %eq3A_171 = arith.constant 0 : i32
        %eq3A_172 = vector.broadcast %eq3A_171 : i32 to vector<16xi32>
        %eq3A_173 = arith.cmpi eq, %iota3A_136, %eq3A_172 : vector<16xi32>
        %ne3A = arith.cmpi ne, %gather3A_155, %masked_sort3A_143 : vector<16xi32>
        %or3A = arith.ori %eq3A_173, %ne3A : vector<16xi1>
        %eq3A_174 = arith.constant 15 : i32
        %eq3A_175 = vector.broadcast %eq3A_174 : i32 to vector<16xi32>
        %eq3A_176 = arith.cmpi eq, %iota3A_136, %eq3A_175 : vector<16xi32>
        %ne3A_177 = arith.cmpi ne, %gather3A_170, %masked_sort3A_143 : vector<16xi32>
        %or3A_178 = arith.ori %eq3A_176, %ne3A_177 : vector<16xi1>
        %jit3A = arith.constant 0 : i32
        %broadcast_in_dim3A_179 = vector.broadcast %jit3A : i32 to vector<16xi32>
        %select_n3A_180 = arith.select %or3A, %iota3A_136, %broadcast_in_dim3A_179 : vector<16xi1>, vector<16xi32>
        %broadcast_in_dim3A_181 = arith.constant true
        %broadcast_in_dim3A_182 = vector.broadcast %broadcast_in_dim3A_181 : i1 to vector<16xi1>
        %masked_cummax3A = arith.constant -2147483648 : i32
        %masked_cummax3A_183 = vector.broadcast %masked_cummax3A : i32 to vector<16xi32>
        %masked_cummax3A_184 = arith.xori %select_n3A_180, %masked_cummax3A_183 : vector<16xi32>
        %masked_cummax3A_185 = tpu.scan <max>, %masked_cummax3A_184 masked %broadcast_in_dim3A_182 : vector<16xi32>, vector<16xi1> -> vector<16xi32>
        %masked_cummax3A_186 = arith.xori %masked_cummax3A_185, %masked_cummax3A_183 : vector<16xi32>
        %sub3A_187 = arith.subi %iota3A_136, %masked_cummax3A_186 : vector<16xi32>
        %add3A_188 = arith.constant 1 : i32
        %add3A_189 = vector.broadcast %add3A_188 : i32 to vector<16xi32>
        %add3A_190 = arith.addi %sub3A_187, %add3A_189 : vector<16xi32>
        tpu.vector_store_idx %arg9[%masked_sort3A_143], %add3A_190 masked %or3A_178 {add = true} : memref<64xi32, #tpu.memory_space<vmem>>[vector<16xi32>], vector<16xi32>, vector<16xi1>
      }
      %scan3A_22 = arith.constant 16 : i32
      %get3A = arith.constant 0 : index
      %get3A_23 = tpu.vector_load %arg9[%get3A] {strides = array<i32>} : memref<64xi32, #tpu.memory_space<vmem>>, vector<16xi32>,
      %add3A = arith.constant 7 : i32
      %add3A_24 = vector.broadcast %add3A : i32 to vector<16xi32>
      %add3A_25 = arith.addi %get3A_23, %add3A_24 : vector<16xi32>
      %shift_right_arithmetic3A = arith.constant 3 : i32
      %shift_right_arithmetic3A_26 = vector.broadcast %shift_right_arithmetic3A : i32 to vector<16xi32>
      %shift_right_arithmetic3A_27 = arith.shrsi %add3A_25, %shift_right_arithmetic3A_26 : vector<16xi32>
      %broadcast_in_dim3A_28 = arith.constant true
      %broadcast_in_dim3A_29 = vector.broadcast %broadcast_in_dim3A_28 : i1 to vector<16xi1>
      %masked_cumsum3A = tpu.scan <sum>, %shift_right_arithmetic3A_27 masked %broadcast_in_dim3A_29 : vector<16xi32>, vector<16xi1> -> vector<16xi32>
      %add3A_30 = arith.constant 0 : i32
      %add3A_31 = vector.broadcast %add3A_30 : i32 to vector<16xi32>
      %add3A_32 = arith.addi %masked_cumsum3A, %add3A_31 : vector<16xi32>
      %swap3A_33 = arith.constant 0 : index
      %swap3A_34 = tpu.vector_load %arg13[%swap3A_33] {strides = array<i32>} : memref<80xi32, #tpu.memory_space<vmem>>, vector<16xi32>,
      tpu.vector_store %arg13[%swap3A_33], %add3A_32 {strides = array<i32>} : memref<80xi32, #tpu.memory_space<vmem>>, vector<16xi32>,
      %sub3A = arith.subi %add3A_32, %shift_right_arithmetic3A_27 : vector<16xi32>
      %mul3A = arith.constant 8 : i32
      %mul3A_35 = vector.broadcast %mul3A : i32 to vector<16xi32>
      %mul3A_36 = arith.muli %sub3A, %mul3A_35 : vector<16xi32>
      %swap3A_37 = arith.constant 0 : index
      %swap3A_38 = tpu.vector_load %arg10[%swap3A_37] {strides = array<i32>} : memref<64xi32, #tpu.memory_space<vmem>>, vector<16xi32>,
      tpu.vector_store %arg10[%swap3A_37], %mul3A_36 {strides = array<i32>} : memref<64xi32, #tpu.memory_space<vmem>>, vector<16xi32>,
      %reduce_sum3A = arith.constant true
      %reduce_sum3A_39 = vector.broadcast %reduce_sum3A : i1 to vector<16xi1>
      %reduce_sum3A_40 = tpu.scan <sum>, %shift_right_arithmetic3A_27 masked %reduce_sum3A_39 : vector<16xi32>, vector<16xi1> -> vector<16xi32>
      %reduce_sum3A_41 = vector.extract %reduce_sum3A_40[15] : i32 from vector<16xi32>
      %add3A_42 = arith.constant 0 : i32
      %add3A_43 = arith.addi %add3A_42, %reduce_sum3A_41 : i32
      %get3A_44 = arith.constant 16 : index
      %get3A_45 = tpu.vector_load %arg9[%get3A_44] {strides = array<i32>} : memref<64xi32, #tpu.memory_space<vmem>>, vector<16xi32>,
      %add3A_46 = arith.constant 7 : i32
      %add3A_47 = vector.broadcast %add3A_46 : i32 to vector<16xi32>
      %add3A_48 = arith.addi %get3A_45, %add3A_47 : vector<16xi32>
      %shift_right_arithmetic3A_49 = arith.constant 3 : i32
      %shift_right_arithmetic3A_50 = vector.broadcast %shift_right_arithmetic3A_49 : i32 to vector<16xi32>
      %shift_right_arithmetic3A_51 = arith.shrsi %add3A_48, %shift_right_arithmetic3A_50 : vector<16xi32>
      %broadcast_in_dim3A_52 = arith.constant true
      %broadcast_in_dim3A_53 = vector.broadcast %broadcast_in_dim3A_52 : i1 to vector<16xi1>
      %masked_cumsum3A_54 = tpu.scan <sum>, %shift_right_arithmetic3A_51 masked %broadcast_in_dim3A_53 : vector<16xi32>, vector<16xi1> -> vector<16xi32>
      %add3A_55 = vector.broadcast %add3A_43 : i32 to vector<16xi32>
      %add3A_56 = arith.addi %masked_cumsum3A_54, %add3A_55 : vector<16xi32>
      %swap3A_57 = arith.constant 16 : index
      %swap3A_58 = tpu.vector_load %arg13[%swap3A_57] {strides = array<i32>} : memref<80xi32, #tpu.memory_space<vmem>>, vector<16xi32>,
      tpu.vector_store %arg13[%swap3A_57], %add3A_56 {strides = array<i32>} : memref<80xi32, #tpu.memory_space<vmem>>, vector<16xi32>,
      %sub3A_59 = arith.subi %add3A_56, %shift_right_arithmetic3A_51 : vector<16xi32>
      %mul3A_60 = arith.constant 8 : i32
      %mul3A_61 = vector.broadcast %mul3A_60 : i32 to vector<16xi32>
      %mul3A_62 = arith.muli %sub3A_59, %mul3A_61 : vector<16xi32>
      %swap3A_63 = arith.constant 16 : index
      %swap3A_64 = tpu.vector_load %arg10[%swap3A_63] {strides = array<i32>} : memref<64xi32, #tpu.memory_space<vmem>>, vector<16xi32>,
      tpu.vector_store %arg10[%swap3A_63], %mul3A_62 {strides = array<i32>} : memref<64xi32, #tpu.memory_space<vmem>>, vector<16xi32>,
      %reduce_sum3A_65 = arith.constant true
      %reduce_sum3A_66 = vector.broadcast %reduce_sum3A_65 : i1 to vector<16xi1>
      %reduce_sum3A_67 = tpu.scan <sum>, %shift_right_arithmetic3A_51 masked %reduce_sum3A_66 : vector<16xi32>, vector<16xi1> -> vector<16xi32>
      %reduce_sum3A_68 = vector.extract %reduce_sum3A_67[15] : i32 from vector<16xi32>
      %add3A_69 = arith.addi %add3A_43, %reduce_sum3A_68 : i32
      %get3A_70 = arith.constant 32 : index
      %get3A_71 = tpu.vector_load %arg9[%get3A_70] {strides = array<i32>} : memref<64xi32, #tpu.memory_space<vmem>>, vector<16xi32>,
      %add3A_72 = arith.constant 7 : i32
      %add3A_73 = vector.broadcast %add3A_72 : i32 to vector<16xi32>
      %add3A_74 = arith.addi %get3A_71, %add3A_73 : vector<16xi32>
      %shift_right_arithmetic3A_75 = arith.constant 3 : i32
      %shift_right_arithmetic3A_76 = vector.broadcast %shift_right_arithmetic3A_75 : i32 to vector<16xi32>
      %shift_right_arithmetic3A_77 = arith.shrsi %add3A_74, %shift_right_arithmetic3A_76 : vector<16xi32>
      %broadcast_in_dim3A_78 = arith.constant true
      %broadcast_in_dim3A_79 = vector.broadcast %broadcast_in_dim3A_78 : i1 to vector<16xi1>
      %masked_cumsum3A_80 = tpu.scan <sum>, %shift_right_arithmetic3A_77 masked %broadcast_in_dim3A_79 : vector<16xi32>, vector<16xi1> -> vector<16xi32>
      %add3A_81 = vector.broadcast %add3A_69 : i32 to vector<16xi32>
      %add3A_82 = arith.addi %masked_cumsum3A_80, %add3A_81 : vector<16xi32>
      %swap3A_83 = arith.constant 32 : index
      %swap3A_84 = tpu.vector_load %arg13[%swap3A_83] {strides = array<i32>} : memref<80xi32, #tpu.memory_space<vmem>>, vector<16xi32>,
      tpu.vector_store %arg13[%swap3A_83], %add3A_82 {strides = array<i32>} : memref<80xi32, #tpu.memory_space<vmem>>, vector<16xi32>,
      %sub3A_85 = arith.subi %add3A_82, %shift_right_arithmetic3A_77 : vector<16xi32>
      %mul3A_86 = arith.constant 8 : i32
      %mul3A_87 = vector.broadcast %mul3A_86 : i32 to vector<16xi32>
      %mul3A_88 = arith.muli %sub3A_85, %mul3A_87 : vector<16xi32>
      %swap3A_89 = arith.constant 32 : index
      %swap3A_90 = tpu.vector_load %arg10[%swap3A_89] {strides = array<i32>} : memref<64xi32, #tpu.memory_space<vmem>>, vector<16xi32>,
      tpu.vector_store %arg10[%swap3A_89], %mul3A_88 {strides = array<i32>} : memref<64xi32, #tpu.memory_space<vmem>>, vector<16xi32>,
      %reduce_sum3A_91 = arith.constant true
      %reduce_sum3A_92 = vector.broadcast %reduce_sum3A_91 : i1 to vector<16xi1>
      %reduce_sum3A_93 = tpu.scan <sum>, %shift_right_arithmetic3A_77 masked %reduce_sum3A_92 : vector<16xi32>, vector<16xi1> -> vector<16xi32>
      %reduce_sum3A_94 = vector.extract %reduce_sum3A_93[15] : i32 from vector<16xi32>
      %add3A_95 = arith.addi %add3A_69, %reduce_sum3A_94 : i32
      %get3A_96 = arith.constant 48 : index
      %get3A_97 = tpu.vector_load %arg9[%get3A_96] {strides = array<i32>} : memref<64xi32, #tpu.memory_space<vmem>>, vector<16xi32>,
      %add3A_98 = arith.constant 7 : i32
      %add3A_99 = vector.broadcast %add3A_98 : i32 to vector<16xi32>
      %add3A_100 = arith.addi %get3A_97, %add3A_99 : vector<16xi32>
      %shift_right_arithmetic3A_101 = arith.constant 3 : i32
      %shift_right_arithmetic3A_102 = vector.broadcast %shift_right_arithmetic3A_101 : i32 to vector<16xi32>
      %shift_right_arithmetic3A_103 = arith.shrsi %add3A_100, %shift_right_arithmetic3A_102 : vector<16xi32>
      %broadcast_in_dim3A_104 = arith.constant true
      %broadcast_in_dim3A_105 = vector.broadcast %broadcast_in_dim3A_104 : i1 to vector<16xi1>
      %masked_cumsum3A_106 = tpu.scan <sum>, %shift_right_arithmetic3A_103 masked %broadcast_in_dim3A_105 : vector<16xi32>, vector<16xi1> -> vector<16xi32>
      %add3A_107 = vector.broadcast %add3A_95 : i32 to vector<16xi32>
      %add3A_108 = arith.addi %masked_cumsum3A_106, %add3A_107 : vector<16xi32>
      %swap3A_109 = arith.constant 48 : index
      %swap3A_110 = tpu.vector_load %arg13[%swap3A_109] {strides = array<i32>} : memref<80xi32, #tpu.memory_space<vmem>>, vector<16xi32>,
      tpu.vector_store %arg13[%swap3A_109], %add3A_108 {strides = array<i32>} : memref<80xi32, #tpu.memory_space<vmem>>, vector<16xi32>,
      %sub3A_111 = arith.subi %add3A_108, %shift_right_arithmetic3A_103 : vector<16xi32>
      %mul3A_112 = arith.constant 8 : i32
      %mul3A_113 = vector.broadcast %mul3A_112 : i32 to vector<16xi32>
      %mul3A_114 = arith.muli %sub3A_111, %mul3A_113 : vector<16xi32>
      %swap3A_115 = arith.constant 48 : index
      %swap3A_116 = tpu.vector_load %arg10[%swap3A_115] {strides = array<i32>} : memref<64xi32, #tpu.memory_space<vmem>>, vector<16xi32>,
      tpu.vector_store %arg10[%swap3A_115], %mul3A_114 {strides = array<i32>} : memref<64xi32, #tpu.memory_space<vmem>>, vector<16xi32>,
      %reduce_sum3A_117 = arith.constant true
      %reduce_sum3A_118 = vector.broadcast %reduce_sum3A_117 : i1 to vector<16xi1>
      %reduce_sum3A_119 = tpu.scan <sum>, %shift_right_arithmetic3A_103 masked %reduce_sum3A_118 : vector<16xi32>, vector<16xi1> -> vector<16xi32>
      %reduce_sum3A_120 = vector.extract %reduce_sum3A_119[15] : i32 from vector<16xi32>
      %add3A_121 = arith.addi %add3A_95, %reduce_sum3A_120 : i32
      %broadcast_in_dim3A_122 = vector.broadcast %add3A_121 : i32 to vector<16xi32>
      %swap3A_123 = arith.constant 64 : index
      %swap3A_124 = tpu.vector_load %arg13[%swap3A_123] {strides = array<i32>} : memref<80xi32, #tpu.memory_space<vmem>>, vector<16xi32>,
      tpu.vector_store %arg13[%swap3A_123], %broadcast_in_dim3A_122 {strides = array<i32>} : memref<80xi32, #tpu.memory_space<vmem>>, vector<16xi32>,
      %scan3A_125 = arith.constant 0 : i32
      %scan3A_126 = arith.constant 0 : i32
      %scan3A_127 = arith.constant 16 : i32
      %scan3A_128 = arith.addi %scan3A_126, %scan3A_127 : i32
      %scan3A_129 = arith.constant 1 : i32
      scf.for %scan3A_131 = %scan3A_126 to %scan3A_128 step %scan3A_129  : i32 {
        %mul3A_132 = arith.constant 16 : i32
        %mul3A_133 = arith.muli %scan3A_131, %mul3A_132 : i32
        %get3A_134 = arith.index_cast %mul3A_133 : i32 to index
        %get3A_135 = tpu.vector_load %arg7[%get3A_134] {strides = array<i32>} : memref<256xi32, #tpu.memory_space<vmem>>, vector<16xi32>,
        %mul3A_136 = arith.constant 16 : i32
        %mul3A_137 = arith.muli %scan3A_131, %mul3A_136 : i32
        %get3A_138 = arith.index_cast %mul3A_137 : i32 to index
        %get3A_139 = tpu.vector_load %arg8[%get3A_138] {strides = array<i32>} : memref<256xf32, #tpu.memory_space<vmem>>, vector<16xf32>,
        %mul3A_140 = arith.constant 16 : i32
        %mul3A_141 = arith.muli %scan3A_131, %mul3A_140 : i32
        %add3A_142 = vector.broadcast %mul3A_141 : i32 to vector<16xi32>
        %add3A_143 = arith.addi %iota3A, %add3A_142 : vector<16xi32>
        %shift_right_arithmetic3A_144 = arith.constant 1 : i32
        %shift_right_arithmetic3A_145 = vector.broadcast %shift_right_arithmetic3A_144 : i32 to vector<16xi32>
        %shift_right_arithmetic3A_146 = arith.shrsi %add3A_143, %shift_right_arithmetic3A_145 : vector<16xi32>
        %iota3A_147 = tpu.iota {dimensions = array<i32: 0>} : vector<16xi32>
        %masked_sort3A = arith.constant dense<true> : vector<16xi1>
        %masked_sort3A_148 = arith.constant -2147483648 : i32
        %masked_sort3A_149 = vector.broadcast %masked_sort3A_148 : i32 to vector<16xi32>
        %masked_sort3A_150 = arith.xori %get3A_135, %masked_sort3A_149 : vector<16xi32>
        %masked_sort3A_151, %masked_sort3A_152, %masked_sort3A_153 = tpu.sort %masked_sort3A_150, %iota3A_147 masked %masked_sort3A : (vector<16xi32>, vector<16xi32>, vector<16xi1>) -> (vector<16xi1>, vector<16xi32>, vector<16xi32>)
        %masked_sort3A_154 = arith.xori %masked_sort3A_152, %masked_sort3A_149 : vector<16xi32>
        %sub3A_155 = arith.constant 1 : i32
        %sub3A_156 = vector.broadcast %sub3A_155 : i32 to vector<16xi32>
        %sub3A_157 = arith.subi %iota3A_147, %sub3A_156 : vector<16xi32>
        %max3A = arith.constant 0 : i32
        %max3A_158 = vector.broadcast %max3A : i32 to vector<16xi32>
        %max3A_159 = arith.maxsi %sub3A_157, %max3A_158 : vector<16xi32>
        %lt3A = arith.constant 0 : i32
        %lt3A_160 = vector.broadcast %lt3A : i32 to vector<16xi32>
        %lt3A_161 = arith.cmpi slt, %max3A_159, %lt3A_160 : vector<16xi32>
        %add3A_162 = arith.constant 16 : i32
        %add3A_163 = vector.broadcast %add3A_162 : i32 to vector<16xi32>
        %add3A_164 = arith.addi %max3A_159, %add3A_163 : vector<16xi32>
        %select_n3A = arith.select %lt3A_161, %add3A_164, %max3A_159 : vector<16xi1>, vector<16xi32>
        %broadcast_in_dim3A_165 = vector.shape_cast %select_n3A : vector<16xi32> to vector<16x1xi32>
        %gather3A = vector.shape_cast %broadcast_in_dim3A_165 : vector<16x1xi32> to vector<16xi32>
        %gather3A_166 = tpu.dynamic_gather %masked_sort3A_154[%gather3A] in [0] : vector<16xi32>, vector<16xi32> -> vector<16xi32>
        %add3A_167 = arith.constant 1 : i32
        %add3A_168 = vector.broadcast %add3A_167 : i32 to vector<16xi32>
        %add3A_169 = arith.addi %iota3A_147, %add3A_168 : vector<16xi32>
        %min3A = arith.constant 15 : i32
        %min3A_170 = vector.broadcast %min3A : i32 to vector<16xi32>
        %min3A_171 = arith.minsi %add3A_169, %min3A_170 : vector<16xi32>
        %lt3A_172 = arith.constant 0 : i32
        %lt3A_173 = vector.broadcast %lt3A_172 : i32 to vector<16xi32>
        %lt3A_174 = arith.cmpi slt, %min3A_171, %lt3A_173 : vector<16xi32>
        %add3A_175 = arith.constant 16 : i32
        %add3A_176 = vector.broadcast %add3A_175 : i32 to vector<16xi32>
        %add3A_177 = arith.addi %min3A_171, %add3A_176 : vector<16xi32>
        %select_n3A_178 = arith.select %lt3A_174, %add3A_177, %min3A_171 : vector<16xi1>, vector<16xi32>
        %broadcast_in_dim3A_179 = vector.shape_cast %select_n3A_178 : vector<16xi32> to vector<16x1xi32>
        %gather3A_180 = vector.shape_cast %broadcast_in_dim3A_179 : vector<16x1xi32> to vector<16xi32>
        %gather3A_181 = tpu.dynamic_gather %masked_sort3A_154[%gather3A_180] in [0] : vector<16xi32>, vector<16xi32> -> vector<16xi32>
        %eq3A_182 = arith.constant 0 : i32
        %eq3A_183 = vector.broadcast %eq3A_182 : i32 to vector<16xi32>
        %eq3A_184 = arith.cmpi eq, %iota3A_147, %eq3A_183 : vector<16xi32>
        %ne3A = arith.cmpi ne, %gather3A_166, %masked_sort3A_154 : vector<16xi32>
        %or3A = arith.ori %eq3A_184, %ne3A : vector<16xi1>
        %eq3A_185 = arith.constant 15 : i32
        %eq3A_186 = vector.broadcast %eq3A_185 : i32 to vector<16xi32>
        %eq3A_187 = arith.cmpi eq, %iota3A_147, %eq3A_186 : vector<16xi32>
        %ne3A_188 = arith.cmpi ne, %gather3A_181, %masked_sort3A_154 : vector<16xi32>
        %or3A_189 = arith.ori %eq3A_187, %ne3A_188 : vector<16xi1>
        %jit3A = arith.constant 0 : i32
        %broadcast_in_dim3A_190 = vector.broadcast %jit3A : i32 to vector<16xi32>
        %select_n3A_191 = arith.select %or3A, %iota3A_147, %broadcast_in_dim3A_190 : vector<16xi1>, vector<16xi32>
        %broadcast_in_dim3A_192 = arith.constant true
        %broadcast_in_dim3A_193 = vector.broadcast %broadcast_in_dim3A_192 : i1 to vector<16xi1>
        %masked_cummax3A = arith.constant -2147483648 : i32
        %masked_cummax3A_194 = vector.broadcast %masked_cummax3A : i32 to vector<16xi32>
        %masked_cummax3A_195 = arith.xori %select_n3A_191, %masked_cummax3A_194 : vector<16xi32>
        %masked_cummax3A_196 = tpu.scan <max>, %masked_cummax3A_195 masked %broadcast_in_dim3A_193 : vector<16xi32>, vector<16xi1> -> vector<16xi32>
        %masked_cummax3A_197 = arith.xori %masked_cummax3A_196, %masked_cummax3A_194 : vector<16xi32>
        %sub3A_198 = arith.subi %iota3A_147, %masked_cummax3A_197 : vector<16xi32>
        %gather3A_199 = tpu.vector_load_idx %arg10[%masked_sort3A_154] : memref<64xi32, #tpu.memory_space<vmem>>[vector<16xi32>], vector<16xi32>,
        %add3A_200 = arith.addi %gather3A_199, %sub3A_198 : vector<16xi32>
        %lt3A_201 = arith.constant 0 : i32
        %lt3A_202 = vector.broadcast %lt3A_201 : i32 to vector<16xi32>
        %lt3A_203 = arith.cmpi slt, %masked_sort3A_153, %lt3A_202 : vector<16xi32>
        %add3A_204 = arith.constant 16 : i32
        %add3A_205 = vector.broadcast %add3A_204 : i32 to vector<16xi32>
        %add3A_206 = arith.addi %masked_sort3A_153, %add3A_205 : vector<16xi32>
        %select_n3A_207 = arith.select %lt3A_203, %add3A_206, %masked_sort3A_153 : vector<16xi1>, vector<16xi32>
        %broadcast_in_dim3A_208 = vector.shape_cast %select_n3A_207 : vector<16xi32> to vector<16x1xi32>
        %gather3A_209 = vector.shape_cast %broadcast_in_dim3A_208 : vector<16x1xi32> to vector<16xi32>
        %gather3A_210 = tpu.dynamic_gather %shift_right_arithmetic3A_146[%gather3A_209] in [0] : vector<16xi32>, vector<16xi32> -> vector<16xi32>
        tpu.vector_store_idx %arg11[%add3A_200], %gather3A_210 : memref<768xi32, #tpu.memory_space<vmem>>[vector<16xi32>], vector<16xi32>,
        %lt3A_211 = arith.constant 0 : i32
        %lt3A_212 = vector.broadcast %lt3A_211 : i32 to vector<16xi32>
        %lt3A_213 = arith.cmpi slt, %masked_sort3A_153, %lt3A_212 : vector<16xi32>
        %add3A_214 = arith.constant 16 : i32
        %add3A_215 = vector.broadcast %add3A_214 : i32 to vector<16xi32>
        %add3A_216 = arith.addi %masked_sort3A_153, %add3A_215 : vector<16xi32>
        %select_n3A_217 = arith.select %lt3A_213, %add3A_216, %masked_sort3A_153 : vector<16xi1>, vector<16xi32>
        %broadcast_in_dim3A_218 = vector.shape_cast %select_n3A_217 : vector<16xi32> to vector<16x1xi32>
        %gather3A_219 = vector.shape_cast %broadcast_in_dim3A_218 : vector<16x1xi32> to vector<16xi32>
        %gather3A_220 = tpu.dynamic_gather %get3A_139[%gather3A_219] in [0] : vector<16xf32>, vector<16xi32> -> vector<16xf32>
        tpu.vector_store_idx %arg12[%add3A_200], %gather3A_220 : memref<768xf32, #tpu.memory_space<vmem>>[vector<16xi32>], vector<16xf32>,
        %add3A_221 = arith.constant 1 : i32
        %add3A_222 = vector.broadcast %add3A_221 : i32 to vector<16xi32>
        %add3A_223 = arith.addi %sub3A_198, %add3A_222 : vector<16xi32>
        tpu.vector_store_idx %arg10[%masked_sort3A_154], %add3A_223 masked %or3A_189 {add = true} : memref<64xi32, #tpu.memory_space<vmem>>[vector<16xi32>], vector<16xi32>, vector<16xi1>
      }
      %scan3A_130 = arith.constant 16 : i32
      tpu.enqueue_dma source(%arg11 : memref<768xi32, #tpu.memory_space<vmem>>) target(%arg4 : memref<768xi32, #tpu.memory_space<hbm>>) target_semaphore(%arg14 : memref<!tpu.dma_semaphore, #tpu.memory_space<semaphore_mem>>)
      tpu.enqueue_dma source(%arg12 : memref<768xf32, #tpu.memory_space<vmem>>) target(%arg5 : memref<768xf32, #tpu.memory_space<hbm>>) target_semaphore(%arg14 : memref<!tpu.dma_semaphore, #tpu.memory_space<semaphore_mem>>)
      tpu.enqueue_dma source(%arg13 : memref<80xi32, #tpu.memory_space<vmem>>) target(%arg6 : memref<80xi32, #tpu.memory_space<hbm>>) target_semaphore(%arg14 : memref<!tpu.dma_semaphore, #tpu.memory_space<semaphore_mem>>)
      tpu.wait_dma2 semaphore(%arg14 : memref<!tpu.dma_semaphore, #tpu.memory_space<semaphore_mem>>) src(%arg11 : memref<768xi32, #tpu.memory_space<vmem>>) dst(%arg4 : memref<768xi32, #tpu.memory_space<hbm>>)
      tpu.wait_dma2 semaphore(%arg14 : memref<!tpu.dma_semaphore, #tpu.memory_space<semaphore_mem>>) src(%arg12 : memref<768xf32, #tpu.memory_space<vmem>>) dst(%arg5 : memref<768xf32, #tpu.memory_space<hbm>>)
      tpu.wait_dma2 semaphore(%arg14 : memref<!tpu.dma_semaphore, #tpu.memory_space<semaphore_mem>>) src(%arg13 : memref<80xi32, #tpu.memory_space<vmem>>) dst(%arg6 : memref<80xi32, #tpu.memory_space<hbm>>)
    } else {
    }
    return
  }
}

module attributes {stable_mosaic.version = 14 : i64} {
  func.func @_moe_body(%arg0: i32, %arg1: memref<80xi32, #tpu.memory_space<smem>>, %arg2: memref<96x8xi32, #tpu.memory_space<vmem>>, %arg3: memref<96x8xf32, #tpu.memory_space<vmem>>, %arg4: memref<128x768xf32, #tpu.memory_space<vmem>>, %arg5: memref<2x768x1536xf32, #tpu.memory_space<vmem>>, %arg6: memref<2x768x768xf32, #tpu.memory_space<vmem>>, %arg7: memref<128x768xf32, #tpu.memory_space<vmem>>) attributes {dimension_semantics = [#tpu.dimension_semantics<arbitrary>], iteration_bounds = array<i64: 32>, scalar_prefetch = 0 : i64, scratch_operands = 0 : i64, tpu.core_type = #tpu.core_type<tc>, window_params = [{transform_indices = @transform_0, window_bounds = array<i64: 80>}, {pipeline_mode = #tpu.pipeline_mode<synchronous>, transform_indices = @transform_1, window_bounds = array<i64: 96, 8>}, {pipeline_mode = #tpu.pipeline_mode<synchronous>, transform_indices = @transform_2, window_bounds = array<i64: 96, 8>}, {pipeline_mode = #tpu.pipeline_mode<synchronous>, transform_indices = @transform_3, window_bounds = array<i64: 128, 768>}, {transform_indices = @transform_4, window_bounds = array<i64: 2, 768, 1536>}, {transform_indices = @transform_5, window_bounds = array<i64: 2, 768, 768>}, {pipeline_mode = #tpu.pipeline_mode<synchronous>, transform_indices = @transform_6, window_bounds = array<i64: 128, 768>}]} {
    %eq3A = arith.constant 0 : i32
    %eq3A_0 = arith.cmpi eq, %arg0, %eq3A : i32
    %convert_element_type3A = arith.extui %eq3A_0 : i1 to i32
    %cond3A = arith.constant 0 : i32
    %cond3A_1 = arith.cmpi ne, %convert_element_type3A, %cond3A : i32
    scf.if %cond3A_1 {
      %broadcast_in_dim3A = arith.constant 0.000000e+00 : f32
      %broadcast_in_dim3A_44 = vector.broadcast %broadcast_in_dim3A : f32 to vector<128x768xf32>
      %swap3A = arith.constant 0 : index
      %swap3A_45 = arith.constant 0 : index
      %swap3A_46 = vector.load %arg7[%swap3A, %swap3A_45] : memref<128x768xf32, #tpu.memory_space<vmem>>, vector<128x768xf32>
      tpu.vector_store %arg7[%swap3A, %swap3A_45], %broadcast_in_dim3A_44 {strides = array<i32>} : memref<128x768xf32, #tpu.memory_space<vmem>>, vector<128x768xf32>,
    } else {
    }
    %mul3A = arith.constant 2 : i32
    %mul3A_2 = arith.muli %arg0, %mul3A : i32
    %add3A = arith.constant 0 : i32
    %add3A_3 = arith.addi %mul3A_2, %add3A : i32
    %eq3A_4 = arith.constant 0 : i32
    %eq3A_5 = arith.cmpi eq, %add3A_3, %eq3A_4 : i32
    %sub3A = arith.constant 1 : i32
    %sub3A_6 = arith.subi %add3A_3, %sub3A : i32
    %max3A = arith.constant 0 : i32
    %max3A_7 = arith.maxsi %sub3A_6, %max3A : i32
    %get3A = arith.index_cast %max3A_7 : i32 to index
    %get3A_8 = memref.load %arg1[%get3A] : memref<80xi32, #tpu.memory_space<smem>>
    %jit3A = arith.constant 0 : i32
    %select_n3A = arith.select %eq3A_5, %jit3A, %get3A_8 : i32
    %get3A_9 = arith.index_cast %add3A_3 : i32 to index
    %get3A_10 = memref.load %arg1[%get3A_9] : memref<80xi32, #tpu.memory_space<smem>>
    %while3A = arith.constant 0 : i32
    %while3A_11 = arith.subi %get3A_10, %select_n3A : i32
    %while3A_12 = arith.addi %select_n3A, %while3A_11 : i32
    %while3A_13 = arith.constant 1 : i32
    %while3A_14 = arith.divsi %while3A_11, %while3A_13 : i32
    %while3A_15 = arith.muli %while3A_14, %while3A_13 : i32
    %while3A_16 = arith.addi %select_n3A, %while3A_15 : i32
    %while3A_17 = arith.constant 1 : i32
    scf.for %while3A_44 = %select_n3A to %while3A_16 step %while3A_17  : i32 {
      %get3A_45 = arith.index_cast %while3A_44 : i32 to index
      %get3A_46 = arith.constant 0 : index
      %get3A_47 = vector.load %arg2[%get3A_45, %get3A_46] : memref<96x8xi32, #tpu.memory_space<vmem>>, vector<1x8xi32>
      %get3A_48 = arith.index_cast %while3A_44 : i32 to index
      %get3A_49 = arith.constant 0 : index
      %get3A_50 = vector.load %arg3[%get3A_48, %get3A_49] : memref<96x8xf32, #tpu.memory_space<vmem>>, vector<1x8xf32>
      %iota3A = tpu.iota {dimensions = array<i32: 0>} : vector<128x8xi32>
      %eq3A_51 = vector.broadcast %get3A_47 : vector<1x8xi32> to vector<128x8xi32>
      %eq3A_52 = arith.cmpi eq, %iota3A, %eq3A_51 : vector<128x8xi32>
      %convert_element_type3A_53 = arith.extui %eq3A_52 : vector<128x8xi1> to vector<128x8xi32>
      %convert_element_type3A_54 = arith.sitofp %convert_element_type3A_53 : vector<128x8xi32> to vector<128x8xf32>
      %transpose3A = tpu.transpose %convert_element_type3A_54, [1, 0] : vector<128x8xf32> -> vector<8x128xf32>
      %get3A_55 = arith.constant 0 : index
      %get3A_56 = arith.constant 0 : index
      %get3A_57 = vector.load %arg4[%get3A_55, %get3A_56] : memref<128x768xf32, #tpu.memory_space<vmem>>, vector<128x768xf32>
      %dot_general3A = arith.constant dense<0.000000e+00> : vector<8x768xf32>
      %dot_general3A_58 = tpu.matmul %transpose3A, %get3A_57, %dot_general3A {dimension_numbers = #tpu.dot_dimension_numbers<[1], [0], [0], [1], [0, 0, 1, 1], [], []>, transpose_lhs_hint = false} : vector<8x128xf32>, vector<128x768xf32>, vector<8x768xf32> -> vector<8x768xf32>
      %get3A_59 = arith.index_cast %while3A : i32 to index
      %get3A_60 = arith.constant 0 : index
      %get3A_61 = arith.constant 0 : index
      %get3A_62 = vector.load %arg5[%get3A_59, %get3A_60, %get3A_61] : memref<2x768x1536xf32, #tpu.memory_space<vmem>>, vector<1x768x1536xf32>
      %get3A_63 = vector.shape_cast %get3A_62 : vector<1x768x1536xf32> to vector<768x1536xf32>
      %dot_general3A_64 = arith.constant dense<0.000000e+00> : vector<8x1536xf32>
      %dot_general3A_65 = tpu.matmul %dot_general3A_58, %get3A_63, %dot_general3A_64 {dimension_numbers = #tpu.dot_dimension_numbers<[1], [0], [0], [1], [0, 0, 1, 1], [], []>, transpose_lhs_hint = false} : vector<8x768xf32>, vector<768x1536xf32>, vector<8x1536xf32> -> vector<8x1536xf32>
      %slice3A = vector.extract_strided_slice %dot_general3A_65 {offsets = [0, 0], sizes = [8, 768], strides = [1, 1]} : vector<8x1536xf32> to vector<8x768xf32>
      %slice3A_66 = vector.extract_strided_slice %dot_general3A_65 {offsets = [0, 768], sizes = [8, 768], strides = [1, 1]} : vector<8x1536xf32> to vector<8x768xf32>
      %mul3A_67 = arith.constant 5.000000e-01 : f32
      %mul3A_68 = vector.broadcast %mul3A_67 : f32 to vector<8x768xf32>
      %mul3A_69 = arith.mulf %mul3A_68, %slice3A : vector<8x768xf32>
      %mul3A_70 = arith.constant 0.707106769 : f32
      %mul3A_71 = vector.broadcast %mul3A_70 : f32 to vector<8x768xf32>
      %mul3A_72 = arith.mulf %slice3A, %mul3A_71 : vector<8x768xf32>
      %erf3A = math.erf %mul3A_72 : vector<8x768xf32>
      %add3A_73 = arith.constant 1.000000e+00 : f32
      %add3A_74 = vector.broadcast %add3A_73 : f32 to vector<8x768xf32>
      %add3A_75 = arith.addf %add3A_74, %erf3A : vector<8x768xf32>
      %mul3A_76 = arith.mulf %mul3A_69, %add3A_75 : vector<8x768xf32>
      %add3A_77 = arith.constant 1.000000e+00 : f32
      %add3A_78 = vector.broadcast %add3A_77 : f32 to vector<8x768xf32>
      %add3A_79 = arith.addf %slice3A_66, %add3A_78 : vector<8x768xf32>
      %mul3A_80 = arith.mulf %mul3A_76, %add3A_79 : vector<8x768xf32>
      %get3A_81 = arith.index_cast %while3A : i32 to index
      %get3A_82 = arith.constant 0 : index
      %get3A_83 = arith.constant 0 : index
      %get3A_84 = vector.load %arg6[%get3A_81, %get3A_82, %get3A_83] : memref<2x768x768xf32, #tpu.memory_space<vmem>>, vector<1x768x768xf32>
      %get3A_85 = vector.shape_cast %get3A_84 : vector<1x768x768xf32> to vector<768x768xf32>
      %dot_general3A_86 = arith.constant dense<0.000000e+00> : vector<8x768xf32>
      %dot_general3A_87 = tpu.matmul %mul3A_80, %get3A_85, %dot_general3A_86 {dimension_numbers = #tpu.dot_dimension_numbers<[1], [0], [0], [1], [0, 0, 1, 1], [], []>, transpose_lhs_hint = false} : vector<8x768xf32>, vector<768x768xf32>, vector<8x768xf32> -> vector<8x768xf32>
      %mul3A_88 = vector.broadcast %get3A_50 : vector<1x8xf32> to vector<128x8xf32>
      %mul3A_89 = arith.mulf %convert_element_type3A_54, %mul3A_88 : vector<128x8xf32>
      %get3A_90 = arith.constant 0 : index
      %get3A_91 = arith.constant 0 : index
      %get3A_92 = vector.load %arg7[%get3A_90, %get3A_91] : memref<128x768xf32, #tpu.memory_space<vmem>>, vector<128x768xf32>
      %dot_general3A_93 = arith.constant dense<0.000000e+00> : vector<128x768xf32>
      %dot_general3A_94 = tpu.matmul %mul3A_89, %dot_general3A_87, %dot_general3A_93 {dimension_numbers = #tpu.dot_dimension_numbers<[1], [0], [0], [1], [0, 0, 1, 1], [], []>, transpose_lhs_hint = false} : vector<128x8xf32>, vector<8x768xf32>, vector<128x768xf32> -> vector<128x768xf32>
      %add3A_95 = arith.addf %get3A_92, %dot_general3A_94 : vector<128x768xf32>
      %swap3A = arith.constant 0 : index
      %swap3A_96 = arith.constant 0 : index
      %swap3A_97 = vector.load %arg7[%swap3A, %swap3A_96] : memref<128x768xf32, #tpu.memory_space<vmem>>, vector<128x768xf32>
      tpu.vector_store %arg7[%swap3A, %swap3A_96], %add3A_95 {strides = array<i32>} : memref<128x768xf32, #tpu.memory_space<vmem>>, vector<128x768xf32>,
    }
    %while3A_18 = arith.constant 1 : i32
    scf.for %while3A_44 = %while3A_16 to %while3A_12 step %while3A_18  : i32 {
      %get3A_45 = arith.index_cast %while3A_44 : i32 to index
      %get3A_46 = arith.constant 0 : index
      %get3A_47 = vector.load %arg2[%get3A_45, %get3A_46] : memref<96x8xi32, #tpu.memory_space<vmem>>, vector<1x8xi32>
      %get3A_48 = arith.index_cast %while3A_44 : i32 to index
      %get3A_49 = arith.constant 0 : index
      %get3A_50 = vector.load %arg3[%get3A_48, %get3A_49] : memref<96x8xf32, #tpu.memory_space<vmem>>, vector<1x8xf32>
      %iota3A = tpu.iota {dimensions = array<i32: 0>} : vector<128x8xi32>
      %eq3A_51 = vector.broadcast %get3A_47 : vector<1x8xi32> to vector<128x8xi32>
      %eq3A_52 = arith.cmpi eq, %iota3A, %eq3A_51 : vector<128x8xi32>
      %convert_element_type3A_53 = arith.extui %eq3A_52 : vector<128x8xi1> to vector<128x8xi32>
      %convert_element_type3A_54 = arith.sitofp %convert_element_type3A_53 : vector<128x8xi32> to vector<128x8xf32>
      %transpose3A = tpu.transpose %convert_element_type3A_54, [1, 0] : vector<128x8xf32> -> vector<8x128xf32>
      %get3A_55 = arith.constant 0 : index
      %get3A_56 = arith.constant 0 : index
      %get3A_57 = vector.load %arg4[%get3A_55, %get3A_56] : memref<128x768xf32, #tpu.memory_space<vmem>>, vector<128x768xf32>
      %dot_general3A = arith.constant dense<0.000000e+00> : vector<8x768xf32>
      %dot_general3A_58 = tpu.matmul %transpose3A, %get3A_57, %dot_general3A {dimension_numbers = #tpu.dot_dimension_numbers<[1], [0], [0], [1], [0, 0, 1, 1], [], []>, transpose_lhs_hint = false} : vector<8x128xf32>, vector<128x768xf32>, vector<8x768xf32> -> vector<8x768xf32>
      %get3A_59 = arith.index_cast %while3A : i32 to index
      %get3A_60 = arith.constant 0 : index
      %get3A_61 = arith.constant 0 : index
      %get3A_62 = vector.load %arg5[%get3A_59, %get3A_60, %get3A_61] : memref<2x768x1536xf32, #tpu.memory_space<vmem>>, vector<1x768x1536xf32>
      %get3A_63 = vector.shape_cast %get3A_62 : vector<1x768x1536xf32> to vector<768x1536xf32>
      %dot_general3A_64 = arith.constant dense<0.000000e+00> : vector<8x1536xf32>
      %dot_general3A_65 = tpu.matmul %dot_general3A_58, %get3A_63, %dot_general3A_64 {dimension_numbers = #tpu.dot_dimension_numbers<[1], [0], [0], [1], [0, 0, 1, 1], [], []>, transpose_lhs_hint = false} : vector<8x768xf32>, vector<768x1536xf32>, vector<8x1536xf32> -> vector<8x1536xf32>
      %slice3A = vector.extract_strided_slice %dot_general3A_65 {offsets = [0, 0], sizes = [8, 768], strides = [1, 1]} : vector<8x1536xf32> to vector<8x768xf32>
      %slice3A_66 = vector.extract_strided_slice %dot_general3A_65 {offsets = [0, 768], sizes = [8, 768], strides = [1, 1]} : vector<8x1536xf32> to vector<8x768xf32>
      %mul3A_67 = arith.constant 5.000000e-01 : f32
      %mul3A_68 = vector.broadcast %mul3A_67 : f32 to vector<8x768xf32>
      %mul3A_69 = arith.mulf %mul3A_68, %slice3A : vector<8x768xf32>
      %mul3A_70 = arith.constant 0.707106769 : f32
      %mul3A_71 = vector.broadcast %mul3A_70 : f32 to vector<8x768xf32>
      %mul3A_72 = arith.mulf %slice3A, %mul3A_71 : vector<8x768xf32>
      %erf3A = math.erf %mul3A_72 : vector<8x768xf32>
      %add3A_73 = arith.constant 1.000000e+00 : f32
      %add3A_74 = vector.broadcast %add3A_73 : f32 to vector<8x768xf32>
      %add3A_75 = arith.addf %add3A_74, %erf3A : vector<8x768xf32>
      %mul3A_76 = arith.mulf %mul3A_69, %add3A_75 : vector<8x768xf32>
      %add3A_77 = arith.constant 1.000000e+00 : f32
      %add3A_78 = vector.broadcast %add3A_77 : f32 to vector<8x768xf32>
      %add3A_79 = arith.addf %slice3A_66, %add3A_78 : vector<8x768xf32>
      %mul3A_80 = arith.mulf %mul3A_76, %add3A_79 : vector<8x768xf32>
      %get3A_81 = arith.index_cast %while3A : i32 to index
      %get3A_82 = arith.constant 0 : index
      %get3A_83 = arith.constant 0 : index
      %get3A_84 = vector.load %arg6[%get3A_81, %get3A_82, %get3A_83] : memref<2x768x768xf32, #tpu.memory_space<vmem>>, vector<1x768x768xf32>
      %get3A_85 = vector.shape_cast %get3A_84 : vector<1x768x768xf32> to vector<768x768xf32>
      %dot_general3A_86 = arith.constant dense<0.000000e+00> : vector<8x768xf32>
      %dot_general3A_87 = tpu.matmul %mul3A_80, %get3A_85, %dot_general3A_86 {dimension_numbers = #tpu.dot_dimension_numbers<[1], [0], [0], [1], [0, 0, 1, 1], [], []>, transpose_lhs_hint = false} : vector<8x768xf32>, vector<768x768xf32>, vector<8x768xf32> -> vector<8x768xf32>
      %mul3A_88 = vector.broadcast %get3A_50 : vector<1x8xf32> to vector<128x8xf32>
      %mul3A_89 = arith.mulf %convert_element_type3A_54, %mul3A_88 : vector<128x8xf32>
      %get3A_90 = arith.constant 0 : index
      %get3A_91 = arith.constant 0 : index
      %get3A_92 = vector.load %arg7[%get3A_90, %get3A_91] : memref<128x768xf32, #tpu.memory_space<vmem>>, vector<128x768xf32>
      %dot_general3A_93 = arith.constant dense<0.000000e+00> : vector<128x768xf32>
      %dot_general3A_94 = tpu.matmul %mul3A_89, %dot_general3A_87, %dot_general3A_93 {dimension_numbers = #tpu.dot_dimension_numbers<[1], [0], [0], [1], [0, 0, 1, 1], [], []>, transpose_lhs_hint = false} : vector<128x8xf32>, vector<8x768xf32>, vector<128x768xf32> -> vector<128x768xf32>
      %add3A_95 = arith.addf %get3A_92, %dot_general3A_94 : vector<128x768xf32>
      %swap3A = arith.constant 0 : index
      %swap3A_96 = arith.constant 0 : index
      %swap3A_97 = vector.load %arg7[%swap3A, %swap3A_96] : memref<128x768xf32, #tpu.memory_space<vmem>>, vector<128x768xf32>
      tpu.vector_store %arg7[%swap3A, %swap3A_96], %add3A_95 {strides = array<i32>} : memref<128x768xf32, #tpu.memory_space<vmem>>, vector<128x768xf32>,
    }
    %mul3A_19 = arith.constant 2 : i32
    %mul3A_20 = arith.muli %arg0, %mul3A_19 : i32
    %add3A_21 = arith.constant 1 : i32
    %add3A_22 = arith.addi %mul3A_20, %add3A_21 : i32
    %eq3A_23 = arith.constant 0 : i32
    %eq3A_24 = arith.cmpi eq, %add3A_22, %eq3A_23 : i32
    %sub3A_25 = arith.constant 1 : i32
    %sub3A_26 = arith.subi %add3A_22, %sub3A_25 : i32
    %max3A_27 = arith.constant 0 : i32
    %max3A_28 = arith.maxsi %sub3A_26, %max3A_27 : i32
    %get3A_29 = arith.index_cast %max3A_28 : i32 to index
    %get3A_30 = memref.load %arg1[%get3A_29] : memref<80xi32, #tpu.memory_space<smem>>
    %jit3A_31 = arith.constant 0 : i32
    %select_n3A_32 = arith.select %eq3A_24, %jit3A_31, %get3A_30 : i32
    %get3A_33 = arith.index_cast %add3A_22 : i32 to index
    %get3A_34 = memref.load %arg1[%get3A_33] : memref<80xi32, #tpu.memory_space<smem>>
    %while3A_35 = arith.constant 1 : i32
    %while3A_36 = arith.subi %get3A_34, %select_n3A_32 : i32
    %while3A_37 = arith.addi %select_n3A_32, %while3A_36 : i32
    %while3A_38 = arith.constant 1 : i32
    %while3A_39 = arith.divsi %while3A_36, %while3A_38 : i32
    %while3A_40 = arith.muli %while3A_39, %while3A_38 : i32
    %while3A_41 = arith.addi %select_n3A_32, %while3A_40 : i32
    %while3A_42 = arith.constant 1 : i32
    scf.for %while3A_44 = %select_n3A_32 to %while3A_41 step %while3A_42  : i32 {
      %get3A_45 = arith.index_cast %while3A_44 : i32 to index
      %get3A_46 = arith.constant 0 : index
      %get3A_47 = vector.load %arg2[%get3A_45, %get3A_46] : memref<96x8xi32, #tpu.memory_space<vmem>>, vector<1x8xi32>
      %get3A_48 = arith.index_cast %while3A_44 : i32 to index
      %get3A_49 = arith.constant 0 : index
      %get3A_50 = vector.load %arg3[%get3A_48, %get3A_49] : memref<96x8xf32, #tpu.memory_space<vmem>>, vector<1x8xf32>
      %iota3A = tpu.iota {dimensions = array<i32: 0>} : vector<128x8xi32>
      %eq3A_51 = vector.broadcast %get3A_47 : vector<1x8xi32> to vector<128x8xi32>
      %eq3A_52 = arith.cmpi eq, %iota3A, %eq3A_51 : vector<128x8xi32>
      %convert_element_type3A_53 = arith.extui %eq3A_52 : vector<128x8xi1> to vector<128x8xi32>
      %convert_element_type3A_54 = arith.sitofp %convert_element_type3A_53 : vector<128x8xi32> to vector<128x8xf32>
      %transpose3A = tpu.transpose %convert_element_type3A_54, [1, 0] : vector<128x8xf32> -> vector<8x128xf32>
      %get3A_55 = arith.constant 0 : index
      %get3A_56 = arith.constant 0 : index
      %get3A_57 = vector.load %arg4[%get3A_55, %get3A_56] : memref<128x768xf32, #tpu.memory_space<vmem>>, vector<128x768xf32>
      %dot_general3A = arith.constant dense<0.000000e+00> : vector<8x768xf32>
      %dot_general3A_58 = tpu.matmul %transpose3A, %get3A_57, %dot_general3A {dimension_numbers = #tpu.dot_dimension_numbers<[1], [0], [0], [1], [0, 0, 1, 1], [], []>, transpose_lhs_hint = false} : vector<8x128xf32>, vector<128x768xf32>, vector<8x768xf32> -> vector<8x768xf32>
      %get3A_59 = arith.index_cast %while3A_35 : i32 to index
      %get3A_60 = arith.constant 0 : index
      %get3A_61 = arith.constant 0 : index
      %get3A_62 = vector.load %arg5[%get3A_59, %get3A_60, %get3A_61] : memref<2x768x1536xf32, #tpu.memory_space<vmem>>, vector<1x768x1536xf32>
      %get3A_63 = vector.shape_cast %get3A_62 : vector<1x768x1536xf32> to vector<768x1536xf32>
      %dot_general3A_64 = arith.constant dense<0.000000e+00> : vector<8x1536xf32>
      %dot_general3A_65 = tpu.matmul %dot_general3A_58, %get3A_63, %dot_general3A_64 {dimension_numbers = #tpu.dot_dimension_numbers<[1], [0], [0], [1], [0, 0, 1, 1], [], []>, transpose_lhs_hint = false} : vector<8x768xf32>, vector<768x1536xf32>, vector<8x1536xf32> -> vector<8x1536xf32>
      %slice3A = vector.extract_strided_slice %dot_general3A_65 {offsets = [0, 0], sizes = [8, 768], strides = [1, 1]} : vector<8x1536xf32> to vector<8x768xf32>
      %slice3A_66 = vector.extract_strided_slice %dot_general3A_65 {offsets = [0, 768], sizes = [8, 768], strides = [1, 1]} : vector<8x1536xf32> to vector<8x768xf32>
      %mul3A_67 = arith.constant 5.000000e-01 : f32
      %mul3A_68 = vector.broadcast %mul3A_67 : f32 to vector<8x768xf32>
      %mul3A_69 = arith.mulf %mul3A_68, %slice3A : vector<8x768xf32>
      %mul3A_70 = arith.constant 0.707106769 : f32
      %mul3A_71 = vector.broadcast %mul3A_70 : f32 to vector<8x768xf32>
      %mul3A_72 = arith.mulf %slice3A, %mul3A_71 : vector<8x768xf32>
      %erf3A = math.erf %mul3A_72 : vector<8x768xf32>
      %add3A_73 = arith.constant 1.000000e+00 : f32
      %add3A_74 = vector.broadcast %add3A_73 : f32 to vector<8x768xf32>
      %add3A_75 = arith.addf %add3A_74, %erf3A : vector<8x768xf32>
      %mul3A_76 = arith.mulf %mul3A_69, %add3A_75 : vector<8x768xf32>
      %add3A_77 = arith.constant 1.000000e+00 : f32
      %add3A_78 = vector.broadcast %add3A_77 : f32 to vector<8x768xf32>
      %add3A_79 = arith.addf %slice3A_66, %add3A_78 : vector<8x768xf32>
      %mul3A_80 = arith.mulf %mul3A_76, %add3A_79 : vector<8x768xf32>
      %get3A_81 = arith.index_cast %while3A_35 : i32 to index
      %get3A_82 = arith.constant 0 : index
      %get3A_83 = arith.constant 0 : index
      %get3A_84 = vector.load %arg6[%get3A_81, %get3A_82, %get3A_83] : memref<2x768x768xf32, #tpu.memory_space<vmem>>, vector<1x768x768xf32>
      %get3A_85 = vector.shape_cast %get3A_84 : vector<1x768x768xf32> to vector<768x768xf32>
      %dot_general3A_86 = arith.constant dense<0.000000e+00> : vector<8x768xf32>
      %dot_general3A_87 = tpu.matmul %mul3A_80, %get3A_85, %dot_general3A_86 {dimension_numbers = #tpu.dot_dimension_numbers<[1], [0], [0], [1], [0, 0, 1, 1], [], []>, transpose_lhs_hint = false} : vector<8x768xf32>, vector<768x768xf32>, vector<8x768xf32> -> vector<8x768xf32>
      %mul3A_88 = vector.broadcast %get3A_50 : vector<1x8xf32> to vector<128x8xf32>
      %mul3A_89 = arith.mulf %convert_element_type3A_54, %mul3A_88 : vector<128x8xf32>
      %get3A_90 = arith.constant 0 : index
      %get3A_91 = arith.constant 0 : index
      %get3A_92 = vector.load %arg7[%get3A_90, %get3A_91] : memref<128x768xf32, #tpu.memory_space<vmem>>, vector<128x768xf32>
      %dot_general3A_93 = arith.constant dense<0.000000e+00> : vector<128x768xf32>
      %dot_general3A_94 = tpu.matmul %mul3A_89, %dot_general3A_87, %dot_general3A_93 {dimension_numbers = #tpu.dot_dimension_numbers<[1], [0], [0], [1], [0, 0, 1, 1], [], []>, transpose_lhs_hint = false} : vector<128x8xf32>, vector<8x768xf32>, vector<128x768xf32> -> vector<128x768xf32>
      %add3A_95 = arith.addf %get3A_92, %dot_general3A_94 : vector<128x768xf32>
      %swap3A = arith.constant 0 : index
      %swap3A_96 = arith.constant 0 : index
      %swap3A_97 = vector.load %arg7[%swap3A, %swap3A_96] : memref<128x768xf32, #tpu.memory_space<vmem>>, vector<128x768xf32>
      tpu.vector_store %arg7[%swap3A, %swap3A_96], %add3A_95 {strides = array<i32>} : memref<128x768xf32, #tpu.memory_space<vmem>>, vector<128x768xf32>,
    }
    %while3A_43 = arith.constant 1 : i32
    scf.for %while3A_44 = %while3A_41 to %while3A_37 step %while3A_43  : i32 {
      %get3A_45 = arith.index_cast %while3A_44 : i32 to index
      %get3A_46 = arith.constant 0 : index
      %get3A_47 = vector.load %arg2[%get3A_45, %get3A_46] : memref<96x8xi32, #tpu.memory_space<vmem>>, vector<1x8xi32>
      %get3A_48 = arith.index_cast %while3A_44 : i32 to index
      %get3A_49 = arith.constant 0 : index
      %get3A_50 = vector.load %arg3[%get3A_48, %get3A_49] : memref<96x8xf32, #tpu.memory_space<vmem>>, vector<1x8xf32>
      %iota3A = tpu.iota {dimensions = array<i32: 0>} : vector<128x8xi32>
      %eq3A_51 = vector.broadcast %get3A_47 : vector<1x8xi32> to vector<128x8xi32>
      %eq3A_52 = arith.cmpi eq, %iota3A, %eq3A_51 : vector<128x8xi32>
      %convert_element_type3A_53 = arith.extui %eq3A_52 : vector<128x8xi1> to vector<128x8xi32>
      %convert_element_type3A_54 = arith.sitofp %convert_element_type3A_53 : vector<128x8xi32> to vector<128x8xf32>
      %transpose3A = tpu.transpose %convert_element_type3A_54, [1, 0] : vector<128x8xf32> -> vector<8x128xf32>
      %get3A_55 = arith.constant 0 : index
      %get3A_56 = arith.constant 0 : index
      %get3A_57 = vector.load %arg4[%get3A_55, %get3A_56] : memref<128x768xf32, #tpu.memory_space<vmem>>, vector<128x768xf32>
      %dot_general3A = arith.constant dense<0.000000e+00> : vector<8x768xf32>
      %dot_general3A_58 = tpu.matmul %transpose3A, %get3A_57, %dot_general3A {dimension_numbers = #tpu.dot_dimension_numbers<[1], [0], [0], [1], [0, 0, 1, 1], [], []>, transpose_lhs_hint = false} : vector<8x128xf32>, vector<128x768xf32>, vector<8x768xf32> -> vector<8x768xf32>
      %get3A_59 = arith.index_cast %while3A_35 : i32 to index
      %get3A_60 = arith.constant 0 : index
      %get3A_61 = arith.constant 0 : index
      %get3A_62 = vector.load %arg5[%get3A_59, %get3A_60, %get3A_61] : memref<2x768x1536xf32, #tpu.memory_space<vmem>>, vector<1x768x1536xf32>
      %get3A_63 = vector.shape_cast %get3A_62 : vector<1x768x1536xf32> to vector<768x1536xf32>
      %dot_general3A_64 = arith.constant dense<0.000000e+00> : vector<8x1536xf32>
      %dot_general3A_65 = tpu.matmul %dot_general3A_58, %get3A_63, %dot_general3A_64 {dimension_numbers = #tpu.dot_dimension_numbers<[1], [0], [0], [1], [0, 0, 1, 1], [], []>, transpose_lhs_hint = false} : vector<8x768xf32>, vector<768x1536xf32>, vector<8x1536xf32> -> vector<8x1536xf32>
      %slice3A = vector.extract_strided_slice %dot_general3A_65 {offsets = [0, 0], sizes = [8, 768], strides = [1, 1]} : vector<8x1536xf32> to vector<8x768xf32>
      %slice3A_66 = vector.extract_strided_slice %dot_general3A_65 {offsets = [0, 768], sizes = [8, 768], strides = [1, 1]} : vector<8x1536xf32> to vector<8x768xf32>
      %mul3A_67 = arith.constant 5.000000e-01 : f32
      %mul3A_68 = vector.broadcast %mul3A_67 : f32 to vector<8x768xf32>
      %mul3A_69 = arith.mulf %mul3A_68, %slice3A : vector<8x768xf32>
      %mul3A_70 = arith.constant 0.707106769 : f32
      %mul3A_71 = vector.broadcast %mul3A_70 : f32 to vector<8x768xf32>
      %mul3A_72 = arith.mulf %slice3A, %mul3A_71 : vector<8x768xf32>
      %erf3A = math.erf %mul3A_72 : vector<8x768xf32>
      %add3A_73 = arith.constant 1.000000e+00 : f32
      %add3A_74 = vector.broadcast %add3A_73 : f32 to vector<8x768xf32>
      %add3A_75 = arith.addf %add3A_74, %erf3A : vector<8x768xf32>
      %mul3A_76 = arith.mulf %mul3A_69, %add3A_75 : vector<8x768xf32>
      %add3A_77 = arith.constant 1.000000e+00 : f32
      %add3A_78 = vector.broadcast %add3A_77 : f32 to vector<8x768xf32>
      %add3A_79 = arith.addf %slice3A_66, %add3A_78 : vector<8x768xf32>
      %mul3A_80 = arith.mulf %mul3A_76, %add3A_79 : vector<8x768xf32>
      %get3A_81 = arith.index_cast %while3A_35 : i32 to index
      %get3A_82 = arith.constant 0 : index
      %get3A_83 = arith.constant 0 : index
      %get3A_84 = vector.load %arg6[%get3A_81, %get3A_82, %get3A_83] : memref<2x768x768xf32, #tpu.memory_space<vmem>>, vector<1x768x768xf32>
      %get3A_85 = vector.shape_cast %get3A_84 : vector<1x768x768xf32> to vector<768x768xf32>
      %dot_general3A_86 = arith.constant dense<0.000000e+00> : vector<8x768xf32>
      %dot_general3A_87 = tpu.matmul %mul3A_80, %get3A_85, %dot_general3A_86 {dimension_numbers = #tpu.dot_dimension_numbers<[1], [0], [0], [1], [0, 0, 1, 1], [], []>, transpose_lhs_hint = false} : vector<8x768xf32>, vector<768x768xf32>, vector<8x768xf32> -> vector<8x768xf32>
      %mul3A_88 = vector.broadcast %get3A_50 : vector<1x8xf32> to vector<128x8xf32>
      %mul3A_89 = arith.mulf %convert_element_type3A_54, %mul3A_88 : vector<128x8xf32>
      %get3A_90 = arith.constant 0 : index
      %get3A_91 = arith.constant 0 : index
      %get3A_92 = vector.load %arg7[%get3A_90, %get3A_91] : memref<128x768xf32, #tpu.memory_space<vmem>>, vector<128x768xf32>
      %dot_general3A_93 = arith.constant dense<0.000000e+00> : vector<128x768xf32>
      %dot_general3A_94 = tpu.matmul %mul3A_89, %dot_general3A_87, %dot_general3A_93 {dimension_numbers = #tpu.dot_dimension_numbers<[1], [0], [0], [1], [0, 0, 1, 1], [], []>, transpose_lhs_hint = false} : vector<128x8xf32>, vector<8x768xf32>, vector<128x768xf32> -> vector<128x768xf32>
      %add3A_95 = arith.addf %get3A_92, %dot_general3A_94 : vector<128x768xf32>
      %swap3A = arith.constant 0 : index
      %swap3A_96 = arith.constant 0 : index
      %swap3A_97 = vector.load %arg7[%swap3A, %swap3A_96] : memref<128x768xf32, #tpu.memory_space<vmem>>, vector<128x768xf32>
      tpu.vector_store %arg7[%swap3A, %swap3A_96], %add3A_95 {strides = array<i32>} : memref<128x768xf32, #tpu.memory_space<vmem>>, vector<128x768xf32>,
    }
    return
  }
  func.func @transform_0(%arg0: i32) -> i32 {
    %c0_i32 = arith.constant 0 : i32
    %c0_i32_0 = arith.constant 0 : i32
    return %c0_i32 : i32
  }
  func.func @transform_1(%arg0: i32) -> (i32, i32) {
    %c0_i32 = arith.constant 0 : i32
    %c0_i32_0 = arith.constant 0 : i32
    %c0_i32_1 = arith.constant 0 : i32
    return %c0_i32, %c0_i32_0 : i32, i32
  }
  func.func @transform_2(%arg0: i32) -> (i32, i32) {
    %c0_i32 = arith.constant 0 : i32
    %c0_i32_0 = arith.constant 0 : i32
    %c0_i32_1 = arith.constant 0 : i32
    return %c0_i32, %c0_i32_0 : i32, i32
  }
  func.func @transform_3(%arg0: i32) -> (i32, i32) {
    %c0_i32 = arith.constant 0 : i32
    %c0_i32_0 = arith.constant 0 : i32
    %c0_i32_1 = arith.constant 0 : i32
    return %c0_i32, %c0_i32_0 : i32, i32
  }
  func.func @transform_4(%arg0: i32) -> (i32, i32, i32) {
    %c0_i32 = arith.constant 0 : i32
    %c0_i32_0 = arith.constant 0 : i32
    %c0_i32_1 = arith.constant 0 : i32
    return %arg0, %c0_i32, %c0_i32_0 : i32, i32, i32
  }
  func.func @transform_5(%arg0: i32) -> (i32, i32, i32) {
    %c0_i32 = arith.constant 0 : i32
    %c0_i32_0 = arith.constant 0 : i32
    %c0_i32_1 = arith.constant 0 : i32
    return %arg0, %c0_i32, %c0_i32_0 : i32, i32, i32
  }
  func.func @transform_6(%arg0: i32) -> (i32, i32) {
    %c0_i32 = arith.constant 0 : i32
    %c0_i32_0 = arith.constant 0 : i32
    %c0_i32_1 = arith.constant 0 : i32
    return %c0_i32, %c0_i32_0 : i32, i32
  }
}

</mosaic_0001>

<sc_bundles>
// kernel: moe_route_sc.3.cloned.1.call-start
scs
__scs_entry_jumppad:
0x0: {  	(pc) =	sbr.rel $0x88, $3  }
0x1: {  	(tag) =	ssettag $0x0;
	lr =	simm.s32 $0x1  }
0x2: {  	[smem:$0x3F9C] =	sst lr;
	_ =	strace $0xD0000000  }
0x3: {  	_ = 	snop  }
0x4: {  	_ = 	snop  }
0x5: {  	_ = 	snop  }
0x6: {  	_ = 	snop  }
0x7: {  	_ = 	snop  }
__scs_overlays_trampoline_lowered:
0x8: {  	[smem:$0x3FAB] =	sst s0  }
0x9: {  	[smem:$0x3FAC] =	sst s1  }
0xa: {  	[smem:$0x3FAD] =	sst s2  }
0xb: {  	[smem:$0x3FAE] =	sst s3  }
0xc: {  	[smem:$0x3FAF] =	sst s4  }
0xd: {  	[smem:$0x3FB0] =	sst s5  }
0xe: {  	[smem:$0x3FB1] =	sst s6  }
0xf: {  	[smem:$0x3FB2] =	sst s7  }
0x10: {  	[smem:$0x3FB3] =	sst s8  }
0x11: {  	[smem:$0x3FB4] =	sst s9;
	s0 =	simm.s32 @!p0 $0x0  }
0x12: {  	s1 =	sld [smem:$0x3F9A];
	s0 =	simm.s32 @p0 $0x1  }
0x13: {  	[smem:$0x3FB5] =	sst s0;
	s0 =	simm.s32 @!p1 $0x0  }
0x14: {  	s2 =	sld [smem:$0x3F99];
	s0 =	simm.s32 @p1 $0x1  }
0x15: {  	[smem:$0x3FB6] =	sst s0;
	s0 =	simm.s32 @!p2 $0x0  }
0x16: {  	s3 =	sld [smem:$0x3FDB];
	s0 =	simm.s32 @p2 $0x1  }
0x17: {  	s4 =	simm.s32 $0x1BF5;
	[smem:$0x3FB8] =	sst s0  }
0x18: {  	s0 =	sld [smem:$0x3F9B];
	_ =	swait.ge [sflag:s4], $0x0  }
0x19: {  	s7 =	sld [smem:$0x3F9C]  }
0x1a: {  	s8 =	sadd.s32 $0xFFFFE003, lr  }
0x1b: {  	s9 =	sadd.s32 $0xFFFFFEF7, lr;
	s5 =	simm.s32 $0xFFFFFFFF;
	p2 =	slt.u32 s8, $0xFFFFF086  }
0x1c: {  	p1 =	slt.u32 s9, $0xF7A;
	s5 =	simm.s32 @!p2 $0x0  }
0x1d: {  	s5 =	simm.s32 @p1 $0x1;
	p0 =	seq.s32 s7, s2  }
0x1e: {  	s7 =	smul.u32 @!p0 $0xF7A, s2;
	p2 =	seq.s32 @!p0 s5, $0x0  }
0x1f: {  	s9 =	smul.u32 $0xF7A, s1;
	s8 =	simm.s32 @!p0 $0x1BF5;
	p2 =	por !p2, p0  }
0x20: {  	[sflag:s8] =	ssyncset.s32 @!p0 $0xFFFFF086;
	s6 =	sadd.s32 @!p0 s3, s7;
	s7 =	simm.s32 @!p0 $0x108  }
0x21: {  	s3 =	sadd.s32 s3, s9;
	s6 =	sadd.s32 @!p0 $0x88, s6;
	s7 =	simm.s32 @p2 $0x1082  }
0x22: {  	[simem:s7], [sflag:s8] =	dma.local @!p0 [hbm:s6], $0xF7A  }
0x23: {  	s9 =	sor.u32 $0xD0000000, s2;
	s6 =	simm.s32 $0x108;
	_ =	swait.ge @!p0 [sflag:s8], $0x0  }
0x24: {  	s3 =	sadd.s32 $0x88, s3;
	s6 =	simm.s32 @!p1 $0x1082;
	[sflag:s4] =	ssyncset.s32 $0xFFFFF086  }
0x25: {  	[simem:s6], [sflag:s4] =	dma.local [hbm:s3], $0xF7A  }
0x26: {  	[smem:$0x3F9C] =	sst s1;
	(tag) =	ssettag s2;
	_ =	strace s9  }
0x27: {  	s1 =	sld [smem:$0x3FAC]  }
0x28: {  	s2 =	sld [smem:$0x3FAD]  }
0x29: {  	s4 =	sld [smem:$0x3FAF]  }
0x2a: {  	p0 =	seq.s32 s5, $0x0;
	s5 =	sld [smem:$0x3FB0]  }
0x2b: {  	s6 =	sld [smem:$0x3FB1]  }
0x2c: {  	s7 =	sld [smem:$0x3FB2]  }
0x2d: {  	s3 =	simm.s32 $0x108;
	s8 =	sld [smem:$0x3FB3]  }
0x2e: {  	s3 =	simm.s32 @!p0 $0x1082;
	s9 =	sld [smem:$0x3FB4]  }
0x2f: {  	lr =	sadd.s32 s0, s3;
	s0 =	sld [smem:$0x3FAB]  }
0x30: {  	s3 =	sld [smem:$0x3FAE]  }
0x31: {  	[smem:$0x3FB7] =	sst s10  }
0x32: {  	s10 =	sld [smem:$0x3FB5];
	_ =	sdelay $0x3  }
0x33: {  	p0 =	seq.s32 s10, $0x1;
	s10 =	sld [smem:$0x3FB7];
	_ =	sdelay $0x3  }
0x34: {  	[smem:$0x3FB7] =	sst s10  }
0x35: {  	s10 =	sld [smem:$0x3FB6];
	_ =	sdelay $0x3  }
0x36: {  	p1 =	seq.s32 s10, $0x1;
	s10 =	sld [smem:$0x3FB7];
	_ =	sdelay $0x3  }
0x37: {  	[smem:$0x3FB7] =	sst s10  }
0x38: {  	s10 =	sld [smem:$0x3FB8]  }
0x39: {  	_ = 	snop;
	(pc) =	sbr.ind lr, $3  }
0x3a: {  	_ = 	snop  }
0x3b: {  	_ = 	snop  }
0x3c: {  	p2 =	seq.s32 s10, $0x1;
	s10 =	sld [smem:$0x3FB7]  }
0x3d: {  	_ =	shalt  }
0x3e: {  	_ =	shalt  }
0x3f: {  	_ =	shalt  }
0x40: {  	_ =	shalt  }
0x41: {  	_ =	shalt  }
0x42: {  	_ =	shalt  }
0x43: {  	_ =	shalt  }
0x44: {  	_ =	shalt  }
0x45: {  	_ =	shalt  }
0x46: {  	_ =	shalt  }
0x47: {  	_ =	shalt  }
0x48: {  	_ =	shalt  }
0x49: {  	_ =	shalt  }
0x4a: {  	_ =	shalt  }
0x4b: {  	_ =	shalt  }
0x4c: {  	_ =	shalt  }
0x4d: {  	_ =	shalt  }
0x4e: {  	_ =	shalt  }
0x4f: {  	_ =	shalt  }
0x50: {  	_ =	shalt  }
0x51: {  	_ =	shalt  }
0x52: {  	_ =	shalt  }
0x53: {  	_ =	shalt  }
0x54: {  	_ =	shalt  }
0x55: {  	_ =	shalt  }
0x56: {  	_ =	shalt  }
0x57: {  	_ =	shalt  }
0x58: {  	_ =	shalt  }
0x59: {  	_ =	shalt  }
0x5a: {  	_ =	shalt  }
0x5b: {  	_ =	shalt  }
0x5c: {  	_ =	shalt  }
0x5d: {  	_ =	shalt  }
0x5e: {  	_ =	shalt  }
0x5f: {  	_ =	shalt  }
0x60: {  	_ =	shalt  }
0x61: {  	_ =	shalt  }
0x62: {  	_ =	shalt  }
0x63: {  	_ =	shalt  }
0x64: {  	_ =	shalt  }
0x65: {  	_ =	shalt  }
0x66: {  	_ =	shalt  }
0x67: {  	_ =	shalt  }
0x68: {  	_ =	shalt  }
0x69: {  	_ =	shalt  }
0x6a: {  	_ =	shalt  }
0x6b: {  	_ =	shalt  }
0x6c: {  	_ =	shalt  }
0x6d: {  	_ =	shalt  }
0x6e: {  	_ =	shalt  }
0x6f: {  	_ =	shalt  }
0x70: {  	_ =	shalt  }
0x71: {  	_ =	shalt  }
0x72: {  	_ =	shalt  }
0x73: {  	_ =	shalt  }
0x74: {  	_ =	shalt  }
0x75: {  	_ =	shalt  }
0x76: {  	_ =	shalt  }
0x77: {  	_ =	shalt  }
0x78: {  	_ =	shalt  }
0x79: {  	_ =	shalt  }
0x7a: {  	_ =	shalt  }
0x7b: {  	_ =	shalt  }
0x7c: {  	_ =	shalt  }
0x7d: {  	_ =	shalt  }
0x7e: {  	_ =	shalt  }
0x7f: {  	_ =	shalt  }
0x80: {  	_ =	shalt  }
0x81: {  	_ =	shalt  }
0x82: {  	_ =	shalt  }
0x83: {  	_ =	shalt  }
0x84: {  	_ =	shalt  }
0x85: {  	_ =	shalt  }
0x86: {  	_ =	shalt  }
0x87: {  	_ =	shalt  }
.Lfunc_end0:
.L_simem_size_0:
called_computation_lowered:
.L_overlay_start_0:
0x88: {  	s2 =	sld [smem:$0x3FD9]  }
0x89: {  	s3 =	sld [smem:$0x3FFE];
	_ =	sdelay $0x1  }
0x8a: {  	s1 =	srdreg.scid  }
0x8b: {  	s0 =	sand.u32 $0x1, s1  }
0x8c: {  	s17 =	sshll.u32 s0, $0xA;
	s2 =	sadd.s32 s3, s2  }
0x8d: {  	s2 =	sadd.s32 s2, s17  }
0x8e: {  	[smem:$0x3FC3] =	sst s2  }
0x8f: {  	_ = 	snop  }
0x90: {  	s2 =	sld [smem:$0x3FD0];
	(tm) =	ssettm $0x1  }
0x91: {  	s18 =	sld [smem:$0x3FFB];
	_ =	sdelay $0x3  }
0x92: {  	_ =	strace s18  }
0x93: {  	s3 =	sld [smem:$0x3FFC];
	_ =	sdelay $0x3  }
0x94: {  	_ =	strace s3  }
0x95: {  	s3 =	sld [smem:$0x3FFD];
	_ =	sdelay $0x3  }
0x96: {  	_ =	strace s3  }
0x97: {  	_ =	strace $0x8FFFFFFF  }
0x98: {  	s19 =	sld [smem:$0x3FDB];
	_ =	sdelay $0x1  }
0x99: {  	s4 =	simm.s32 $_scs_section_size  }
0x9a: {  	s5 =	simm.s32 $_size__tile_overlayer_lowered;
	s6 =	simm.s32 $_tile_overlayer_lowered  }
0x9b: {  	s22 =	simm.s32 $0x1BFF;
	s21 =	sshll.u32 s6, $0x1;
	s3 =	sadd.s32 s4, s19  }
0x9c: {  	s7 =	simm.s32 $0x0;
	s20 =	sshll.u32 s5, $0x1;
	s5 =	sadd.s32 s21, s3  }
0x9d: {  	[timem:s7], [sflag:s22] =	dma.local [hbm:s5], s20  }
0x9e: {  	_ =	swait.ge [sflag:s22], s20  }
0x9f: {  	s4 =	ssub.s32 $0x0, s20;
	[sflag:s22] =	ssyncset.done $0x0  }
0xa0: {  	[sflag:s22] =	ssyncadd.s32 s4;
	_ =	sdelay $0x1  }
0xa1: {  	s23 =	simm.s32 $0x1B8B  }
0xa2: {  	_ =	swait.ge [sflag:s23], $0x1  }
0xa3: {  	[sflag:s23] =	ssyncset.done $0x0  }
0xa4: {  	s25 =	simm.s32 $0x1B8E;
	s24 =	sld [smem:$0x3FFE];
	[sflag:s23] =	ssyncadd.s32 $0xFFFFFFFF  }
0xa5: {  	s26 =	simm.s32 $execute0_lowered;
	[smem:$0x3FD2] =	sst s25  }
0xa6: {  	s5 =	sshll.u32 s26, $0x1;
	_ =	strace $0x80000046;
	[dreg:$0x1] =	wrdreg $0xFFFFFFFF  }
0xa7: {  	s28 =	simm.s32 $_size_execute0_lowered;
	s3 =	sadd.s32 s3, s5;
	[dreg:$0x0] =	wrdreg $0x0  }
0xa8: {  	s5 =	sshll.u32 s28, $0x1;
	[dreg:$0x2] =	wrdreg s3  }
0xa9: {  	[dreg:$0x3] =	wrdreg s5  }
0xaa: {  	[dreg:$0x4] =	wrdreg $0xC0  }
0xab: {  	_ =	task [dreg:s7], $0x5FFFF  }
0xac: {  	[dreg:$0x1] =	wrdreg $0xFFFFFFFF  }
0xad: {  	[dreg:$0x0] =	wrdreg $0x60  }
0xae: {  	[dreg:$0x2] =	wrdreg s24  }
0xaf: {  	[dreg:$0x3] =	wrdreg s2  }
0xb0: {  	[dreg:$0x4] =	wrdreg $0x9  }
0xb1: {  	_ =	task.clear_ibuf [dreg:s7], $0x5FFFF;
	_ =	strace $0x90000046  }
0xb2: {  	s29 =	simm.s32 $0x9;
	_ =	strace $0x80000048  }
0xb3: {  	_ =	swait.ge [sflag:s29], $0x1  }
0xb4: {  	[sflag:s29] =	ssyncadd.s32 $0xFFFFFFFF  }
0xb5: {  	_ =	strace $0x90000048  }
0xb6: {  	_ =	sfence  }
0xb7: {  	s30 =	sld [smem:$0x0];
	_ =	sdelay $0x2  }
0xb8: {  	s31 =	sshll.u32 s1, $0xD;
	s1 =	sshrl.u32 s1, $0x2  }
0xb9: {  	s3 =	sand.u32 $0x4000, s31;
	s1 =	sadd.s32 s1, s30  }
0xba: {  	s0 =	sor.u32 s3, s0;
	s1 =	sshll.u32 s1, $0x11  }
0xbb: {  	s0 =	sor.u32 s1, s0  }
0xbc: {  	s0 =	sadd.s32 $0x8F2B, s0  }
0xbd: {  	[sflag:s0] =	ssyncadd.remote.s32 $0x1  }
0xbe: {  	_ =	sfence.sel $0xFFFF  }
0xbf: {  	[dreg:$0x0] =	wrdreg $0xFFFFFFFF;
	(pc) =	sbr.abs _section_cstart, $3  }
0xc0: {  	[dreg:$0x1] =	wrdreg $0xFFFFFFFF  }
0xc1: {  	_ =	task.clear_ibuf [dreg:s7], $0x2FFFF;
	_ =	strace $0x9FFFFFFF  }
0xc2: {  	(tm) =	ssettm $0x7FFFFFFF  }
0xc3: {  	_ =	shalt  }
tec
execute0_lowered:
.L_overlay_start_1:
0x0: {  	(tag) =	ssettag $0x1  }
0x1: {  	s0 =	srdreg.scid  }
0x2: {  	s3 =	sand.u32 $0x1, s0;
	s0 =	stileid.u32  }
0x3: {  	s4 =	sor.u32 s0, s3  }
0x4: {  	p0 =	sne.s32 s4, $0x0  }
.Ltmp0:
0x5: {  	_ = 	snop;
	(pc) =	sbr.rel @p0 .LBB2_7-.Ltmp0, $4  }
0x6: {  	_ = 	snop  }
0x7: {  	s6 =	rddreg [dreg:$0x0]  }
0x8: {  	s2 =	rddreg [dreg:$0x1]  }
0x9: {  	s1 =	rddreg [dreg:$0x2];
	_ =	strace $0x80000047  }
0xa: {  	v0 =	vimm.s32 $0x65432100  }
0xb: {  	v1 =	vimm.s32 $0xEDCBA987;
	v2 =	vimm.s32 $0xFFEDCBA9;
	v3 =	vimm.s32 $0x87654321  }
0xc: {  	s7 =	ssub.s32 $0x2, s3;
	v1 =	vunpack.c.l.s4.s8 v1;
	v2 =	vunpack.c.l.s4.s8 v2;
	v3 =	vunpack.c.l.s4.s8 v3  }
0xd: {  	s3 =	sadd.s32 $0xE00, s6;
	s4 =	sadd.s32 $0xC00, s6;
	s5 =	sadd.s32 $0x1000, s6;
	vm0 =	vcmask $0x3F3C;
	v0 =	vunpack.c.l.s4.s8 v0  }
0xe: {  	s6 =	sadd.s32 $0x1200, s6;
	s9 =	simm.s32 $0x100;
	s10 =	simm.s32 $0x1;
	v4 =	vunpack.c.0.s8.s32 v1;
	v6 =	vunpack.c.0.s8.s32 v2;
	v7 =	vunpack.c.0.s8.s32 v3  }
0xf: {  	s11 =	simm.s32 $0x200;
	s12 =	simm.s32 $0x280;
	s13 =	simm.s32 $0x300;
	v5 =	vunpack.c.0.s8.s32 v0;
	v0 =	vimm.f32 $0.0e+00;
	v1 =	vimm.s32 $0x0  }
0x10: {  	s14 =	simm.s32 $0x600;
	s15 =	simm.s32 $0x0;
	s8 =	sshrl.u32 s7, $0x1;
	v2 =	vlaneseq.u32;
	v3 =	vand.u32 $0xF, v4;
	v4 =	vcombine.low v7, v6  }
0x11: {  	s16 =	simm.s32 $0x900;
	s7 =	ssub.s32 s7, s8;
	s8 =	simm.s32 $0x0;
	v6 =	vadd.s32 $0x1, v2;
	v3 =	vcombine.low v5, v3;
	v5 =	vor.u32 $0x80000000, v2  }
.LBB2_2:
0x12: {  	[tilespmem:s15], [sflag:$0x1] =	stream.linear.gather [hbm4b:s3+s15], $0x100, $0x38;
	[tilespmem:$0x980] =	vst v63  }
0x13: {  	_ = 	snop  }
0x14: {  	[tilespmem:s9], [sflag:$0x1] =	stream.linear.gather [hbm4b:s4+s15], $0x100, $0x38;
	[tilespmem:$0x980] =	vst v63  }
0x15: {  	[tilespmem:$0x600] =	vst v0  }
0x16: {  	[tilespmem:$0x610] =	vst v0  }
0x17: {  	[tilespmem:$0x620] =	vst v0  }
0x18: {  	[tilespmem:$0x630] =	vst v0  }
0x19: {  	[tilespmem:$0x640] =	vst v0  }
0x1a: {  	[tilespmem:$0x650] =	vst v0  }
0x1b: {  	[tilespmem:$0x660] =	vst v0  }
0x1c: {  	[tilespmem:$0x670] =	vst v0  }
0x1d: {  	[tilespmem:$0x680] =	vst v0  }
0x1e: {  	[tilespmem:$0x690] =	vst v0  }
0x1f: {  	[tilespmem:$0x6A0] =	vst v0  }
0x20: {  	[tilespmem:$0x6B0] =	vst v0  }
0x21: {  	[tilespmem:$0x6C0] =	vst v0  }
0x22: {  	[tilespmem:$0x6D0] =	vst v0  }
0x23: {  	[tilespmem:$0x6E0] =	vst v0  }
0x24: {  	[tilespmem:$0x6F0] =	vst v0  }
0x25: {  	[tilespmem:$0x700] =	vst v0  }
0x26: {  	[tilespmem:$0x710] =	vst v0  }
0x27: {  	[tilespmem:$0x720] =	vst v0  }
0x28: {  	[tilespmem:$0x730] =	vst v0  }
0x29: {  	[tilespmem:$0x740] =	vst v0  }
0x2a: {  	[tilespmem:$0x750] =	vst v0  }
0x2b: {  	[tilespmem:$0x760] =	vst v0  }
0x2c: {  	[tilespmem:$0x770] =	vst v0  }
0x2d: {  	[tilespmem:$0x780] =	vst v0  }
0x2e: {  	[tilespmem:$0x790] =	vst v0  }
0x2f: {  	[tilespmem:$0x7A0] =	vst v0  }
0x30: {  	[tilespmem:$0x7B0] =	vst v0  }
0x31: {  	[tilespmem:$0x7C0] =	vst v0  }
0x32: {  	[tilespmem:$0x7D0] =	vst v0  }
0x33: {  	[tilespmem:$0x7E0] =	vst v0  }
0x34: {  	[tilespmem:$0x7F0] =	vst v0  }
0x35: {  	[tilespmem:$0x800] =	vst v0  }
0x36: {  	[tilespmem:$0x810] =	vst v0  }
0x37: {  	[tilespmem:$0x820] =	vst v0  }
0x38: {  	[tilespmem:$0x830] =	vst v0  }
0x39: {  	[tilespmem:$0x840] =	vst v0  }
0x3a: {  	[tilespmem:$0x850] =	vst v0  }
0x3b: {  	[tilespmem:$0x860] =	vst v0  }
0x3c: {  	[tilespmem:$0x870] =	vst v0  }
0x3d: {  	[tilespmem:$0x880] =	vst v0  }
0x3e: {  	[tilespmem:$0x890] =	vst v0  }
0x3f: {  	[tilespmem:$0x8A0] =	vst v0  }
0x40: {  	[tilespmem:$0x8B0] =	vst v0  }
0x41: {  	[tilespmem:$0x8C0] =	vst v0  }
0x42: {  	[tilespmem:$0x8D0] =	vst v0  }
0x43: {  	[tilespmem:$0x8E0] =	vst v0  }
0x44: {  	[tilespmem:$0x8F0] =	vst v0  }
0x45: {  	[tilespmem:$0x200] =	vst v1  }
0x46: {  	[tilespmem:$0x210] =	vst v1  }
0x47: {  	[tilespmem:$0x220] =	vst v1  }
0x48: {  	[tilespmem:$0x230] =	vst v1  }
0x49: {  	_ =	swait.ge [sflag:s10], $0x100  }
0x4a: {  	[sflag:s10] =	ssyncset.done $0x0  }
0x4b: {  	[sflag:s10] =	ssyncadd.s32 $0xFFFFFF00  }
0x4c: {  	_ =	swait.ge [sflag:s10], $0x100  }
0x4d: {  	[sflag:s10] =	ssyncset.done $0x0  }
0x4e: {  	s18 =	simm.s32 $0x0;
	s17 =	simm.s32 $0x40;
	[sflag:s10] =	ssyncadd.s32 $0xFFFFFF00  }
.LBB2_3:
0x4f: {  	p0 =	sne.s32 s17, $0x3C0;
	v7 =	vld [tilespmem:s18+$0x0];
	_ =	sdelay $0x4  }
0x50: {  	v7 =	vxor.u32 $0x80000000, v7  }
0x51: {  	(xrf1) =	vsort.ascd.msk.u32 $0xffff, v7, v2;
	_ =	sdelay $0xd  }
0x52: {  	v7, _, _ =	vpop (xrf1)  }
0x53: {  	v7 =	vxor.u32 $0x80000000, v7  }
0x54: {  	v8 =	vperm.xlane v7, v3;
	_ =	sdelay $0x1  }
0x55: {  	vm1 =	veq.s32 v8, v7  }
0x56: {  	v8 =	vsel vm1, $0x80000000, v5  }
0x57: {  	v9 =	vperm.xlane v7, v4;
	(xrf0) =	vmax.scan.msk.u32 $0xffff, v8;
	_ =	sdelay $0x1  }
0x58: {  	vm1 =	vne.s32 v9, v7  }
0x59: {  	vm1 =	vmor vm1, vm0;
	_ =	sdelay $0x1  }
.Ltmp1:
0x5a: {  	(pc) =	sbr.rel @p0 .LBB2_3-.Ltmp1, $4  }
0x5b: {  	v8, _, _ =	vpop (xrf0)  }
0x5c: {  	v8 =	vxor.u32 $0x80000000, v8  }
0x5d: {  	v8 =	vsub.s32 v6, v8  }
0x5e: {  	s18 =	sshra.s32 s17, $0x2;
	s17 =	sadd.s32 $0x40, s17;
	[tilespmem:v7+s11+$0x0] =	vst.idx.add.s32.msk vm1, v8  }
0x5f: {  	v7 =	vld [tilespmem:s18+$0x0];
	_ =	sdelay $0x4  }
0x60: {  	v7 =	vxor.u32 $0x80000000, v7  }
0x61: {  	(xrf1) =	vsort.ascd.msk.u32 $0xffff, v7, v2;
	_ =	sdelay $0xd  }
0x62: {  	v7, _, _ =	vpop (xrf1)  }
0x63: {  	v7 =	vxor.u32 $0x80000000, v7  }
0x64: {  	v8 =	vperm.xlane v7, v3;
	_ =	sdelay $0x1  }
0x65: {  	vm1 =	veq.s32 v8, v7  }
0x66: {  	v8 =	vsel vm1, $0x80000000, v5  }
0x67: {  	v9 =	vperm.xlane v7, v4;
	(xrf0) =	vmax.scan.msk.u32 $0xffff, v8;
	_ =	sdelay $0x1  }
0x68: {  	vm1 =	vne.s32 v9, v7  }
0x69: {  	vm1 =	vmor vm1, vm0;
	_ =	sdelay $0x2  }
0x6a: {  	v8, _, _ =	vpop (xrf0)  }
0x6b: {  	v8 =	vxor.u32 $0x80000000, v8  }
0x6c: {  	v8 =	vsub.s32 v6, v8  }
0x6d: {  	[tilespmem:v7+s11+$0x0] =	vst.idx.add.s32.msk vm1, v8  }
0x6e: {  	v7 =	vld [tilespmem:$0x200]  }
0x6f: {  	v8 =	vld [tilespmem:$0x210];
	_ =	sdelay $0x1  }
0x70: {  	v9 =	vld [tilespmem:$0x220];
	_ =	sdelay $0x1  }
0x71: {  	v7 =	vadd.s32 $0x7, v7  }
0x72: {  	v10 =	vld [tilespmem:$0x230];
	v8 =	vadd.s32 $0x7, v8;
	v7 =	vshra.s32 v7, $0x3  }
0x73: {  	v8 =	vshra.s32 v8, $0x3;
	(xrf0) =	vadd.scan.msk.s32 $0xffff, v7  }
0x74: {  	v9 =	vadd.s32 $0x7, v9;
	(xrf0) =	vadd.scan.msk.s32 $0xffff, v8  }
0x75: {  	v9 =	vshra.s32 v9, $0x3  }
0x76: {  	(xrf0) =	vadd.scan.msk.s32 $0xffff, v9  }
0x77: {  	v10 =	vadd.s32 $0x7, v10  }
0x78: {  	v10 =	vshra.s32 v10, $0x3  }
0x79: {  	v11, _, _ =	vpop (xrf0);
	(xrf0) =	vadd.scan.msk.s32 $0xffff, v10  }
0x7a: {  	v12, _, _ =	vpop (xrf0);
	(v2sf) =	vpush v11, $0xF  }
0x7b: {  	(v2sf) =	vpush v12, $0xF  }
0x7c: {  	v13, _, _ =	vpop (xrf0)  }
0x7d: {  	(v2sf) =	vpush v13, $0xF;
	_ =	sdelay $0x1  }
0x7e: {  	v14, _, _ =	vpop (xrf0)  }
0x7f: {  	(v2sf) =	vpush v14, $0xF;
	_ =	sdelay $0x7  }
0x80: {  	v15 =	vbroadcast v11, $0xF  }
0x81: {  	v7 =	vsub.s32 v11, v7;
	s17 =	spop (v2sf)  }
0x82: {  	[tilespmem:$0x900] =	vst v11;
	v7 =	vshll.u32 v7, $0x3;
	v11 =	vadd.s32 v15, v12;
	s29 =	spop (v2sf)  }
0x83: {  	[tilespmem:$0x280] =	vst v7;
	v7 =	vsub.s32 v11, v8;
	s17 =	sadd.s32 s17, s29  }
0x84: {  	[tilespmem:$0x910] =	vst v11;
	v7 =	vshll.u32 v7, $0x3;
	s30 =	spop (v2sf);
	v8 =	vadd.s32 s17, v13  }
0x85: {  	[tilespmem:$0x290] =	vst v7;
	s17 =	sadd.s32 s17, s30;
	v7 =	vsub.s32 v8, v9  }
0x86: {  	[tilespmem:$0x920] =	vst v8;
	v8 =	vadd.s32 s17, v14;
	v7 =	vshll.u32 v7, $0x3  }
0x87: {  	[tilespmem:$0x2A0] =	vst v7;
	v7 =	vsub.s32 v8, v10;
	s31 =	spop (v2sf)  }
0x88: {  	[tilespmem:$0x930] =	vst v8;
	v7 =	vshll.u32 v7, $0x3;
	s17 =	sadd.s32 s17, s31  }
0x89: {  	[tilespmem:$0x2B0] =	vst v7;
	v7 =	vmov s17  }
0x8a: {  	s17 =	simm.s32 $0x0;
	[tilespmem:$0x940] =	vst v7  }
0x8b: {  	v7 =	vld [tilespmem:s17+$0x0];
	_ =	sdelay $0x4  }
0x8c: {  	v7 =	vxor.u32 $0x80000000, v7  }
0x8d: {  	(xrf1) =	vsort.ascd.msk.u32 $0xffff, v7, v2;
	_ =	sdelay $0xd  }
0x8e: {  	v7, v8, _ =	vpop (xrf1)  }
0x8f: {  	v7 =	vxor.u32 $0x80000000, v7  }
0x90: {  	v9 =	vperm.xlane v7, v3;
	_ =	sdelay $0x1  }
0x91: {  	vm1 =	veq.s32 v9, v7  }
0x92: {  	v9 =	vsel vm1, $0x80000000, v5  }
0x93: {  	(xrf0) =	vmax.scan.msk.u32 $0xffff, v9;
	_ =	sdelay $0x2  }
0x94: {  	v9 =	vld.idx.msk [tilespmem:v7+s12+$0x0], $0xffff;
	_ =	sdelay $0x2  }
0x95: {  	v10, _, _ =	vpop (xrf0)  }
0x96: {  	s18 =	simm.s32 $0x100;
	v63 =	vperm.xlane v7, v4;
	v10 =	vxor.u32 $0x80000000, v10  }
0x97: {  	v11 =	vld [tilespmem:s18+$0x0];
	v9 =	vsub.s32 v9, v10  }
0x98: {  	v60 =	vshrl.u32 v8, $0x1B;
	vm1 =	vne.s32 v63, v7;
	v9 =	vadd.s32 v2, v9  }
0x99: {  	v61 =	vor.u32 s17, v2;
	v12 =	vand.u32 $0x10, v60;
	vm1 =	vmor vm1, vm0  }
0x9a: {  	v62 =	vshrl.u32 v61, $0x1;
	v8 =	vadd.s32 v8, v12  }
0x9b: {  	v12 =	vperm.xlane v62, v8  }
0x9c: {  	v8 =	vperm.xlane v11, v8  }
0x9d: {  	[tilespmem:v9+s13+$0x0] =	vst.idx.msk $0xffff, v12  }
0x9e: {  	s19 =	simm.s32 $0x10;
	[tilespmem:v9+s14+$0x0] =	vst.idx.msk $0xffff, v8;
	v8 =	vsub.s32 v6, v10  }
.LBB2_5:
0x9f: {  	p0 =	sne.s32 s19, $0xF0;
	[tilespmem:v7+s12+$0x0] =	vst.idx.add.s32.msk vm1, v8;
	s17 =	sadd.s32 $0x10, s17;
	s18 =	sadd.s32 $0x10, s18  }
0xa0: {  	s20 =	smov.u32 s19;
	s19 =	sadd.s32 $0x10, s19;
	v7 =	vld [tilespmem:s17+$0x0];
	_ =	sdelay $0x4  }
0xa1: {  	v7 =	vxor.u32 $0x80000000, v7  }
0xa2: {  	(xrf1) =	vsort.ascd.msk.u32 $0xffff, v7, v2;
	_ =	sdelay $0xd  }
0xa3: {  	v7, v8, _ =	vpop (xrf1)  }
0xa4: {  	v7 =	vxor.u32 $0x80000000, v7;
	v9 =	vshrl.u32 v8, $0x1B  }
0xa5: {  	v10 =	vperm.xlane v7, v3;
	v11 =	vperm.xlane v7, v4;
	v9 =	vand.u32 $0x10, v9  }
0xa6: {  	v8 =	vadd.s32 v8, v9  }
0xa7: {  	vm1 =	veq.s32 v10, v7;
	vm2 =	vne.s32 v11, v7  }
0xa8: {  	v9 =	vsel vm1, $0x80000000, v5  }
0xa9: {  	(xrf0) =	vmax.scan.msk.u32 $0xffff, v9;
	_ =	sdelay $0x1  }
0xaa: {  	v9 =	vld.idx.msk [tilespmem:v7+s12+$0x0], $0xffff;
	_ =	sdelay $0x3  }
0xab: {  	v10, _, _ =	vpop (xrf0)  }
0xac: {  	v10 =	vxor.u32 $0x80000000, v10  }
0xad: {  	v11 =	vld [tilespmem:s18+$0x0];
	v9 =	vsub.s32 v9, v10  }
0xae: {  	v9 =	vadd.s32 v2, v9  }
0xaf: {  	v12 =	vor.u32 s20, v2;
	vm1 =	vmor vm2, vm0  }
.Ltmp2:
0xb0: {  	v12 =	vshrl.u32 v12, $0x1;
	(pc) =	sbr.rel @p0 .LBB2_5-.Ltmp2, $4  }
0xb1: {  	v12 =	vperm.xlane v12, v8  }
0xb2: {  	v8 =	vperm.xlane v11, v8  }
0xb3: {  	[tilespmem:v9+s13+$0x0] =	vst.idx.msk $0xffff, v12  }
0xb4: {  	[tilespmem:v9+s14+$0x0] =	vst.idx.msk $0xffff, v8;
	v8 =	vsub.s32 v6, v10  }
0xb5: {  	_ =	sdelay $0x4  }
0xb6: {  	[tilespmem:v7+s12+$0x0] =	vst.idx.add.s32.msk vm1, v8  }
0xb7: {  	[hbm4b:s2+s15] =	stream.linear.scatter [tilespmem:s13], [sflag:$0x1], $0x300, $0x38;
	[tilespmem:$0x980] =	vst v63  }
0xb8: {  	_ = 	snop  }
0xb9: {  	[hbm4b:s5+s15] =	stream.linear.scatter [tilespmem:s14], [sflag:$0x1], $0x300, $0x38;
	[tilespmem:$0x980] =	vst v63  }
0xba: {  	_ = 	snop  }
0xbb: {  	[hbm4b:s6+s15] =	stream.linear.scatter [tilespmem:s16], [sflag:$0x1], $0x80, $0x38;
	[tilespmem:$0x980] =	vst v63  }
0xbc: {  	_ =	swait.ge [sflag:s10], $0x300  }
0xbd: {  	[sflag:s10] =	ssyncset.done $0x0  }
0xbe: {  	s8 =	sadd.s32 $0x1, s8;
	[sflag:s10] =	ssyncadd.s32 $0xFFFFFD00  }
0xbf: {  	p0 =	sne.s32 s8, s7;
	_ =	swait.ge [sflag:s10], $0x300  }
.Ltmp3:
0xc0: {  	[sflag:s10] =	ssyncset.done $0x0;
	(pc) =	sbr.rel @p0 .LBB2_2-.Ltmp3, $4  }
0xc1: {  	[sflag:s10] =	ssyncadd.s32 $0xFFFFFD00  }
0xc2: {  	_ =	swait.ge [sflag:s10], $0x80  }
0xc3: {  	[sflag:s10] =	ssyncset.done $0x0  }
0xc4: {  	[sflag:s10] =	ssyncadd.s32 $0xFFFFFF80  }
.LBB2_7:
0xc5: {  	_ =	sfence.sel $0x180000  }
0xc6: {  	[bflag:$0x0] =	sbarrier.arrive $0xFFFF  }
0xc7: {  	p0 =	sne.s32 s0, $0x0;
	_ =	strace $0x90000047  }
0xc8: {  	s0 =	sadd.s32 @!p0 $0x100000, s1;
	[bflag:$0x2] =	sbarrier.arrive $0xFFFF  }
0xc9: {  	[sflag:s0] =	ssyncadd.tile.s32 @!p0 $0x1;
	_ =	shalt  }
.Lfunc_end2:
_tile_overlayer_lowered:
.L_overlay_start_2:
0xca: {  	(tag) =	ssettag $0x2  }
0xcb: {  	s0 =	rddreg [dreg:$0x0];
	s2 =	stileid.u32  }
0xcc: {  	s1 =	rddreg [dreg:$0x1];
	p0 =	sne.s32 s2, $0x0  }
0xcd: {  	s3 =	rddreg [dreg:$0x2];
	[bflag:$0x3] =	sbarrier.arrive $0xFFFF;
	s2 =	simm.s32 @!p0 $0x1C02  }
0xce: {  	[timem:s3], [sflag:s2] =	dma.local @!p0 [hbm:s0], s1  }
0xcf: {  	s0 =	simm.s32 @!p0 $0x2  }
0xd0: {  	_ =	swait.ge @!p0 [sflag:s0], s1  }
0xd1: {  	s1 =	ssub.s32 @!p0 $0x0, s1;
	[sflag:s0] =	ssyncset.done @!p0 $0x0  }
0xd2: {  	[sflag:s0] =	ssyncadd.s32 @!p0 s1  }
0xd3: {  	[bflag:$0x3] =	sbarrier.arrive $0xFFFF  }
0xd4: {  	_ =	shalt  }

</sc_bundles>
